<compile_context>
chip_gen: v7x
topology: tpu7x:2x2x1
jax: 0.10.2.dev20260603
libtpu: 0.0.44.dev20260713+nightly
codegen_flags: <defaults>
</compile_context>

<pallas_src>
import functools

import jax
import jax.numpy as jnp
import numpy as np
from jax import lax
from jax.experimental import pallas as pl
from jax.experimental.pallas import tpu as pltpu
from jax.experimental.pallas import tpu_sc as plsc

N = 1048576
D = 16
LOG2PI = float(np.log(2.0 * np.pi))

_NC, _NS = 2, 16
_NW = _NC * _NS
_C = N // _NW
_CS = 1024
_CHK = 2048
_GWIN = 128
_LANE = 16


def _lanes():
    return lax.iota(jnp.int32, _LANE)


def _a_of(cumv, jv, u0v, flagv):
    T = cumv * jnp.float32(N)
    y = T - u0v
    i0 = y.astype(jnp.int32)
    base = i0 - 2
    cnt = jnp.zeros((_LANE,), jnp.int32)
    for m in range(6):
        k = base + m
        cond = ((u0v + k.astype(jnp.float32)) <= T) | (k < 0)
        cnt = cnt + cond.astype(jnp.int32)
    a = jnp.clip(base + cnt, 0, N)
    return jnp.where(flagv, a, jv + 1)


def _shift1(v, carry):
    lanes = _lanes()
    rot = v.at[(lanes + (_LANE - 1)) & (_LANE - 1)].get(
        mode="promise_in_bounds")
    return jnp.where(lanes == 0, carry, rot)


def _sc_resample_kernel(cum_hbm, cs_hbm, scal_hbm, parts_hbm,
                        anc_hbm, rows_hbm,
                        csbuf, cumbuf, mbuf, rowsbuf, scalbuf, gsem):
    wid = lax.axis_index("s") * _NC + lax.axis_index("c")
    s = wid * _C

    pltpu.sync_copy(cs_hbm, csbuf)
    pltpu.sync_copy(scal_hbm, scalbuf)
    u0v = scalbuf[0, :]
    flagv = scalbuf[1, :] > jnp.float32(0.5)

    def ph1(k, st):
        cnt, smax = st
        cv = csbuf[pl.ds(k * _LANE, _LANE)]
        jv = (_lanes() + k * _LANE) * _CS + (_CS - 1)
        sv = _a_of(cv, jv, u0v, flagv)
        le = sv <= s
        cnt = cnt + jnp.sum(le.astype(jnp.int32))
        smax = jnp.maximum(smax, jnp.max(jnp.where(le, sv, 0)))
        return cnt, smax

    kk, carry0 = lax.fori_loop(0, _CS // _LANE, ph1,
                               (jnp.int32(0), jnp.int32(0)))
    t0 = kk * _CS

    zer = jnp.zeros((_LANE,), jnp.int32)

    @pl.loop(0, _C, step=_LANE)
    def _(i):
        mbuf[pl.ds(i, _LANE)] = zer

    def cond(st):
        return jnp.logical_not(st[2])

    def body(st):
        t, carry_a, _ = st
        tt = pl.multiple_of(jnp.minimum(t, N - _CHK), 8)
        pltpu.sync_copy(cum_hbm.at[pl.ds(tt, _CHK)], cumbuf)

        def inner(k, carry_a):
            cv = cumbuf[pl.ds(k * _LANE, _LANE)]
            jv = _lanes() + (tt + k * _LANE)
            av = _a_of(cv, jv, u0v, flagv)
            aprev = _shift1(av, carry_a)
            pos = jnp.maximum(aprev - s, 0)
            mask = (av > aprev) & (av > s) & (pos < _C)
            plsc.store_scatter(mbuf, [pos], jv + 1, mask=mask)
            return jnp.max(av)

        carry_a = lax.fori_loop(0, _CHK // _LANE, inner, carry_a)
        t2 = tt + _CHK
        return t2, carry_a, (carry_a >= s + _C) | (t2 >= N)

    lax.while_loop(cond, body, (t0, carry0, t0 >= N))

    pltpu.sync_copy(cum_hbm.at[pl.ds(N - _LANE, _LANE)],
                    cumbuf.at[pl.ds(0, _LANE)])
    cv = cumbuf[pl.ds(0, _LANE)]
    av = _a_of(cv, _lanes() + (N - _LANE), u0v, flagv)
    a_last = jnp.max(av)
    pos_t = jnp.maximum(a_last - s, 0)
    maskt = (_lanes() == 0) & ((a_last - s) < _C) & (a_last <= N - 1)
    plsc.store_scatter(mbuf, [jnp.zeros((_LANE,), jnp.int32) + pos_t],
                       jnp.zeros((_LANE,), jnp.int32) + N, mask=maskt)

    def ph4(k, carry):
        v = mbuf[pl.ds(k * _LANE, _LANE)]
        v = jnp.maximum(plsc.cummax(v), carry)
        mbuf[pl.ds(k * _LANE, _LANE)] = v - 1
        return jnp.max(v)

    lax.fori_loop(0, _C // _LANE, ph4, jnp.int32(0))

    pltpu.sync_copy(mbuf, anc_hbm.at[pl.ds(s, _C)])

    @pl.loop(0, _C, step=_CHK)
    def _(off):
        @pl.loop(0, _CHK, step=_GWIN)
        def _(c):
            pltpu.async_copy(
                parts_hbm.at[mbuf.at[pl.ds(off + c, _GWIN)]],
                rowsbuf.at[pl.ds(c, _GWIN)], gsem)

        @pl.loop(0, _CHK, step=_GWIN)
        def _(c):
            pltpu.make_async_copy(
                parts_hbm.at[mbuf.at[pl.ds(off + c, _GWIN)]],
                rowsbuf.at[pl.ds(c, _GWIN)], gsem).wait()

        pltpu.sync_copy(rowsbuf, rows_hbm.at[pl.ds(s + off, _CHK)])


def _sc_resample(cum, cs, scal, particles):
    mesh = plsc.VectorSubcoreMesh(core_axis_name="c", subcore_axis_name="s")
    k = pl.kernel(
        _sc_resample_kernel,
        out_type=(
            jax.ShapeDtypeStruct((N,), jnp.int32),
            jax.ShapeDtypeStruct((N, D), jnp.float32),
        ),
        mesh=mesh,
        scratch_types=[
            pltpu.VMEM((_CS,), jnp.float32),
            pltpu.VMEM((_CHK,), jnp.float32),
            pltpu.VMEM((_C,), jnp.int32),
            pltpu.VMEM((_CHK, D), jnp.float32),
            pltpu.VMEM((2, _LANE), jnp.float32),
            pltpu.SemaphoreType.DMA,
        ],
        compiler_params=pltpu.CompilerParams(use_tc_tiling_on_sc=False,
                                             needs_layout_passes=False),
    )
    return k(cum, cs, scal, particles)



_P = N * D // 128
_BP = 1024
_NPB = _P // _BP
_BN = 512
_NNB = _P // _BN

_ROT = ((13, 15, 26, 6), (17, 29, 16, 24))


def _tc_noise_kernel(ks_ref, out_ref):
    ks0 = ks_ref[0, 0]
    ks1 = ks_ref[0, 1]
    ks2 = ks0 ^ ks1 ^ jnp.uint32(0x1BD11BDA)
    i = pl.program_id(0)
    bi = lax.broadcasted_iota(jnp.uint32, (_BN, 128), 0)
    li = lax.broadcasted_iota(jnp.uint32, (_BN, 128), 1)
    e = (bi + jnp.uint32(i * _BN).astype(jnp.uint32)) * jnp.uint32(128) + li

    x0 = jnp.zeros((_BN, 128), jnp.uint32) + ks0
    x1 = e + ks1
    inj = ((ks1, ks2, 1), (ks2, ks0, 2), (ks0, ks1, 3), (ks1, ks2, 4),
           (ks2, ks0, 5))
    for g in range(5):
        for r in _ROT[g % 2]:
            x0 = x0 + x1
            x1 = (x1 << jnp.uint32(r)) | (x1 >> jnp.uint32(32 - r))
            x1 = x1 ^ x0
        a, b, c = inj[g]
        x0 = x0 + a
        x1 = x1 + b + jnp.uint32(c)
    bits = x0 ^ x1

    flo = lax.bitcast_convert_type((bits >> jnp.uint32(9))
                                   | jnp.uint32(0x3F800000), jnp.float32)
    f = flo - jnp.float32(1.0)
    lo = jnp.float32(np.nextafter(np.float32(-1.0), np.float32(0.0)))
    u = jnp.maximum(lo, f * (jnp.float32(1.0) - lo) + lo)

    w = -jnp.log((jnp.float32(1.0) - u) * (jnp.float32(1.0) + u))
    p_small = (2.81022636e-08, 3.43273939e-07, -3.5233877e-06,
               -4.39150654e-06, 0.00021858087, -0.00125372503,
               -0.00417768164, 0.246640727, 1.50140941)
    p_big = (-0.000200214257, 0.000100950558, 0.00134934322, -0.00367342844,
             0.00573950773, -0.0076224613, 0.00943887047, 1.00167406,
             2.83297682)
    ws = w - jnp.float32(2.5)
    wb = jnp.sqrt(w) - jnp.float32(3.0)
    ps = jnp.full((_BN, 128), p_small[0], jnp.float32)
    pb = jnp.full((_BN, 128), p_big[0], jnp.float32)
    for cs, cb in zip(p_small[1:], p_big[1:]):
        ps = ps * ws + jnp.float32(cs)
        pb = pb * wb + jnp.float32(cb)
    p = jnp.where(w < jnp.float32(5.0), ps, pb)
    out_ref[...] = jnp.float32(np.sqrt(2.0)) * (p * u)


def _tc_noise(ks):
    return pl.pallas_call(
        _tc_noise_kernel,
        grid=(_NNB,),
        in_specs=[pl.BlockSpec((1, 2), lambda i: (0, 0))],
        out_specs=pl.BlockSpec((_BN, 128), lambda i: (i, 0)),
        out_shape=jax.ShapeDtypeStruct((_P, 128), jnp.float32),
    )(ks)


def _tc_math_kernel(pr_ref, nz_ref, lwp_ref, bda_ref, bdc_ref, seg_ref,
                    obs_ref, lsx_ref, lsy_ref, scal_ref,
                    lw_out, next_out, inc_out):
    x = pr_ref[...]
    noise = nz_ref[...]
    bda = bda_ref[...]
    bdc = bdc_ref[...]
    seg = seg_ref[...]
    obs = obs_ref[...]
    lsx = lsx_ref[...]
    lsy = lsy_ref[...]
    flag = scal_ref[0, 0]

    mu = jnp.dot(x, bda, preferred_element_type=jnp.float32)
    sig_p_log = lsx + jnp.float32(np.log(1.1))
    nxt = mu + noise * jnp.exp(sig_p_log)
    d = nxt - mu

    inv_sx = jnp.exp(-lsx)
    inv_sp = jnp.exp(-sig_p_log)
    t = (-0.5 * (d * inv_sx) ** 2 - lsx) - (-0.5 * (d * inv_sp) ** 2
                                            - sig_p_log)
    emis_mu = jnp.dot(nxt, bdc, preferred_element_type=jnp.float32)
    ee = (obs - emis_mu) * jnp.exp(-lsy)
    t = t + (-0.5 * ee * ee - lsy - jnp.float32(0.5 * LOG2PI))
    inc = jnp.dot(t, seg, preferred_element_type=jnp.float32)

    lw_r = flag * jnp.float32(-np.log(float(N))) \
        + (jnp.float32(1.0) - flag) * lwp_ref[...]
    lw_out[...] = lw_r + inc
    inc_out[...] = inc
    next_out[...] = nxt


def _tc_math(pr_p, noise_p, log_w, A, C, log_sigma_x, log_sigma_y,
             observation, flag):
    lwp = log_w.reshape(_P, 8)
    bda = jnp.kron(jnp.eye(8, dtype=jnp.float32), A.T)
    bdc = jnp.kron(jnp.eye(8, dtype=jnp.float32), C.T)
    seg = jnp.kron(jnp.eye(8, dtype=jnp.float32),
                   jnp.ones((D, 1), jnp.float32))
    obs_t = jnp.tile(observation, 8).reshape(1, 128)
    lsx_t = jnp.tile(log_sigma_x, 8).reshape(1, 128)
    lsy_t = jnp.tile(log_sigma_y, 8).reshape(1, 128)

    big = pl.BlockSpec((_BP, 128), lambda i: (i, 0))
    sml = pl.BlockSpec((_BP, 8), lambda i: (i, 0))
    out = pl.pallas_call(
        _tc_math_kernel,
        grid=(_NPB,),
        in_specs=[big, big, sml,
                  pl.BlockSpec((128, 128), lambda i: (0, 0)),
                  pl.BlockSpec((128, 128), lambda i: (0, 0)),
                  pl.BlockSpec((128, 8), lambda i: (0, 0)),
                  pl.BlockSpec((1, 128), lambda i: (0, 0)),
                  pl.BlockSpec((1, 128), lambda i: (0, 0)),
                  pl.BlockSpec((1, 128), lambda i: (0, 0)),
                  pl.BlockSpec((1, 1), lambda i: (0, 0))],
        out_specs=[sml, big, sml],
        out_shape=[
            jax.ShapeDtypeStruct((_P, 8), jnp.float32),
            jax.ShapeDtypeStruct((_P, 128), jnp.float32),
            jax.ShapeDtypeStruct((_P, 8), jnp.float32),
        ],
    )(pr_p, noise_p, lwp, bda, bdc, seg, obs_t, lsx_t, lsy_t,
      flag.reshape(1, 1))
    return (out[0].reshape(N), out[1].reshape(N, D), out[2].reshape(N))



def kernel(log_w, particles, observation, A, C, log_sigma_x, log_sigma_y):
    n = log_w.shape[0]
    step_key = jax.random.key(42)
    resample_key, proposal_key = jax.random.split(step_key)

    w = jax.nn.softmax(log_w)
    ess_e = 1.0 / (jnp.sum(w * w) * n)
    cum = jnp.cumsum(w)
    u0 = jax.random.uniform(resample_key, ())
    do_resample = ess_e < 0.5

    flag = do_resample.astype(jnp.float32)
    cs = cum.reshape(_CS, N // _CS)[:, -1]
    scal = jnp.stack([jnp.full((_LANE,), u0, jnp.float32),
                      jnp.full((_LANE,), flag, jnp.float32)])
    ks = jax.random.key_data(proposal_key).astype(jnp.uint32).reshape(1, 2)
    noise_p = _tc_noise(ks)
    ancestor_ix, particles_r = _sc_resample(cum, cs, scal, particles)

    log_w_new, next_particles, inc_weight = _tc_math(
        particles_r.reshape(_P, 128), noise_p, log_w, A, C,
        log_sigma_x, log_sigma_y, observation, flag)

    return (log_w_new, next_particles, ess_e, ancestor_ix, inc_weight)

# --- scband reference (transcript-rebuilt; emitter-appended) ---
"""Pipeline reference for scband-smcsampler-6983616824157 (READ-ONLY COPY).

The authoritative reference and input builder live on the scoring server;
editing this copy changes nothing except your own understanding.
"""

import jax, jax.numpy as jnp
import numpy as np

N = 1048576
D = 16


def setup_inputs(seed: int = 0) -> dict:
    key = jax.random.key(seed)
    ks = jax.random.split(key, 7)
    return {
        "log_w": jax.random.normal(ks[0], (N,), jnp.float32),
        "particles": jax.random.normal(ks[1], (N, D), jnp.float32),
        "observation": jax.random.normal(ks[2], (D,), jnp.float32),
        "A": jax.random.normal(ks[3], (D, D), jnp.float32) * 0.1,
        "C": jax.random.normal(ks[4], (D, D), jnp.float32) * 0.1,
        "log_sigma_x": jnp.zeros((D,), jnp.float32),
        "log_sigma_y": jnp.zeros((D,), jnp.float32),
    }


def _gauss_logpdf(x, mu, log_sigma):
    s = jnp.exp(log_sigma)
    return jnp.sum(-0.5 * ((x - mu) / s) ** 2 - log_sigma - 0.5 * jnp.log(2.0 * jnp.pi), axis=-1)


def reference(log_w, particles, observation, A, C, log_sigma_x, log_sigma_y):
    # One SMC sample_step: bootstrap proposal, linear-Gaussian transition/emission,
    # adaptive systematic resampling (ESS threshold 0.5), all orders = 1, obs_dependency = 0.
    n = log_w.shape[0]
    step_key = jax.random.key(42)
    resample_key, proposal_key = jax.random.split(step_key)

    # ESS efficiency from log-weights
    w = jax.nn.softmax(log_w)
    ess_e = 1.0 / (jnp.sum(w * w) * n)

    # systematic resampler
    cum = jnp.cumsum(w)
    u0 = jax.random.uniform(resample_key, ())
    u = (u0 + jnp.arange(n, dtype=jnp.float32)) / n
    idx = jnp.clip(jnp.searchsorted(cum, u), 0, n - 1)
    do_resample = ess_e < 0.5
    ancestor_ix = jnp.where(do_resample, idx, jnp.arange(n))
    particles_r = jnp.where(do_resample, jnp.take(particles, idx, axis=0), particles)
    log_w_r = jnp.where(do_resample, jnp.full((n,), -jnp.log(float(n)), dtype=log_w.dtype), log_w)

    # bootstrap proposal: next = A @ x + 1.1*sigma_x * eps
    mu = particles_r @ A.T
    noise = jax.random.normal(proposal_key, particles_r.shape, particles_r.dtype)
    sigma_p_log = log_sigma_x + jnp.log(1.1)
    next_particles = mu + noise * jnp.exp(sigma_p_log)

    # incremental weight = transition + emission - proposal (vmapped over particles)
    trans_lp = _gauss_logpdf(next_particles, mu, log_sigma_x)
    prop_lp = _gauss_logpdf(next_particles, mu, sigma_p_log)
    emis_mu = next_particles @ C.T
    emis_lp = _gauss_logpdf(observation[None, :], emis_mu, log_sigma_y)
    inc_weight = trans_lp + emis_lp - prop_lp

    log_w_new = log_w_r + inc_weight
    return (log_w_new, next_particles, ess_e, ancestor_ix, inc_weight)

if __name__ == "__main__":
    import jax
    _d = setup_inputs()
    print(jax.jit(kernel)(*tuple(_d.values())))

</pallas_src>

<mosaic_0001>
#map = affine_map<(d0, d1) -> (0)>
#map1 = affine_map<(d0, d1) -> (0, 0)>
module attributes {stable_mosaic.version = 14 : i64} {
  func.func @_sc_resample_kernel(%arg0: i32, %arg1: i32, %arg2: memref<1048576xf32, #tpu.memory_space<hbm>>, %arg3: memref<1024xf32, #tpu.memory_space<hbm>>, %arg4: memref<2x16xf32, #tpu.memory_space<hbm>>, %arg5: memref<1048576x16xf32, #tpu.memory_space<hbm>>, %arg6: memref<1048576xi32, #tpu.memory_space<hbm>>, %arg7: memref<1048576x16xf32, #tpu.memory_space<hbm>>, %arg8: memref<1024xf32, #tpu.memory_space<vmem>>, %arg9: memref<2048xf32, #tpu.memory_space<vmem>>, %arg10: memref<32768xi32, #tpu.memory_space<vmem>>, %arg11: memref<2048x16xf32, #tpu.memory_space<vmem>>, %arg12: memref<2x16xf32, #tpu.memory_space<vmem>>, %arg13: memref<!tpu.dma_semaphore, #tpu.memory_space<semaphore_mem>>) attributes {dimension_semantics = [#tpu.dimension_semantics<core_parallel>, #tpu.dimension_semantics<subcore_parallel>], iteration_bounds = array<i64: 2, 16>, scalar_prefetch = 0 : i64, scratch_operands = 6 : i64, tpu.core_type = #tpu.core_type<sc_vector_subcore>, window_params = [{transform_indices = #map}, {transform_indices = #map}, {transform_indices = #map1}, {transform_indices = #map1}, {transform_indices = #map}, {transform_indices = #map1}]} {
    %mul3A = arith.constant 2 : i32
    %mul3A_0 = arith.muli %arg1, %mul3A : i32
    %add3A = arith.addi %mul3A_0, %arg0 : i32
    %mul3A_1 = arith.constant 32768 : i32
    %mul3A_2 = arith.muli %add3A, %mul3A_1 : i32
    "tpu.region"() ({
      %run_scoped3A = tpu.sem_alloc : memref<!tpu.dma_semaphore, #tpu.memory_space<semaphore_mem>>
      tpu.enqueue_dma source(%arg3 : memref<1024xf32, #tpu.memory_space<hbm>>) target(%arg8 : memref<1024xf32, #tpu.memory_space<vmem>>) target_semaphore(%run_scoped3A : memref<!tpu.dma_semaphore, #tpu.memory_space<semaphore_mem>>)
      tpu.wait_dma2 semaphore(%run_scoped3A : memref<!tpu.dma_semaphore, #tpu.memory_space<semaphore_mem>>) src(%arg3 : memref<1024xf32, #tpu.memory_space<hbm>>) dst(%arg8 : memref<1024xf32, #tpu.memory_space<vmem>>)
      tpu.yield
    }) : () -> ()
    "tpu.region"() ({
      %run_scoped3A = tpu.sem_alloc : memref<!tpu.dma_semaphore, #tpu.memory_space<semaphore_mem>>
      tpu.enqueue_dma source(%arg4 : memref<2x16xf32, #tpu.memory_space<hbm>>) target(%arg12 : memref<2x16xf32, #tpu.memory_space<vmem>>) target_semaphore(%run_scoped3A : memref<!tpu.dma_semaphore, #tpu.memory_space<semaphore_mem>>)
      tpu.wait_dma2 semaphore(%run_scoped3A : memref<!tpu.dma_semaphore, #tpu.memory_space<semaphore_mem>>) src(%arg4 : memref<2x16xf32, #tpu.memory_space<hbm>>) dst(%arg12 : memref<2x16xf32, #tpu.memory_space<vmem>>)
      tpu.yield
    }) : () -> ()
    %get3A = arith.constant 0 : i32
    %get3A_3 = arith.index_cast %get3A : i32 to index
    %get3A_4 = arith.constant 0 : index
    %get3A_5 = tpu.vector_load %arg12[%get3A_3, %get3A_4] {strides = array<i32>} : memref<2x16xf32, #tpu.memory_space<vmem>>, vector<16xf32>,
    %get3A_6 = arith.constant 1 : i32
    %get3A_7 = arith.index_cast %get3A_6 : i32 to index
    %get3A_8 = arith.constant 0 : index
    %get3A_9 = tpu.vector_load %arg12[%get3A_7, %get3A_8] {strides = array<i32>} : memref<2x16xf32, #tpu.memory_space<vmem>>, vector<16xf32>,
    %gt3A = arith.constant 5.000000e-01 : f32
    %gt3A_10 = vector.broadcast %gt3A : f32 to vector<16xf32>
    %gt3A_11 = arith.cmpf ogt, %get3A_9, %gt3A_10 : vector<16xf32>
    %scan3A = arith.constant 0 : i32
    %scan3A_12 = arith.constant 0 : i32
    %scan3A_13 = arith.constant 0 : i32
    %scan3A_14 = arith.constant 64 : i32
    %scan3A_15 = arith.addi %scan3A_13, %scan3A_14 : i32
    %scan3A_16 = arith.constant 1 : i32
    %scan3A_17:2 = scf.for %scan3A_159 = %scan3A_13 to %scan3A_15 step %scan3A_16 iter_args(%scan3A_160 = %scan3A, %scan3A_161 = %scan3A_12) -> (i32, i32)  : i32 {
      %mul3A_162 = arith.constant 16 : i32
      %mul3A_163 = arith.muli %scan3A_159, %mul3A_162 : i32
      %get3A_164 = arith.index_cast %mul3A_163 : i32 to index
      %get3A_165 = tpu.vector_load %arg8[%get3A_164] {strides = array<i32>} : memref<1024xf32, #tpu.memory_space<vmem>>, vector<16xf32>,
      %iota3A_166 = tpu.iota {dimensions = array<i32: 0>} : vector<16xi32>
      %mul3A_167 = arith.constant 16 : i32
      %mul3A_168 = arith.muli %scan3A_159, %mul3A_167 : i32
      %add3A_169 = vector.broadcast %mul3A_168 : i32 to vector<16xi32>
      %add3A_170 = arith.addi %iota3A_166, %add3A_169 : vector<16xi32>
      %mul3A_171 = arith.constant 1024 : i32
      %mul3A_172 = vector.broadcast %mul3A_171 : i32 to vector<16xi32>
      %mul3A_173 = arith.muli %add3A_170, %mul3A_172 : vector<16xi32>
      %add3A_174 = arith.constant 1023 : i32
      %add3A_175 = vector.broadcast %add3A_174 : i32 to vector<16xi32>
      %add3A_176 = arith.addi %mul3A_173, %add3A_175 : vector<16xi32>
      %mul3A_177 = arith.constant 0x49800000 : f32
      %mul3A_178 = vector.broadcast %mul3A_177 : f32 to vector<16xf32>
      %mul3A_179 = arith.mulf %get3A_165, %mul3A_178 : vector<16xf32>
      %sub3A_180 = arith.subf %mul3A_179, %get3A_5 : vector<16xf32>
      %convert_element_type3A_181 = arith.fptosi %sub3A_180 : vector<16xf32> to vector<16xi32>
      %sub3A_182 = arith.constant 2 : i32
      %sub3A_183 = vector.broadcast %sub3A_182 : i32 to vector<16xi32>
      %sub3A_184 = arith.subi %convert_element_type3A_181, %sub3A_183 : vector<16xi32>
      %broadcast_in_dim3A_185 = arith.constant 0 : i32
      %broadcast_in_dim3A_186 = vector.broadcast %broadcast_in_dim3A_185 : i32 to vector<16xi32>
      %add3A_187 = arith.constant 0 : i32
      %add3A_188 = vector.broadcast %add3A_187 : i32 to vector<16xi32>
      %add3A_189 = arith.addi %sub3A_184, %add3A_188 : vector<16xi32>
      %convert_element_type3A_190 = arith.sitofp %add3A_189 : vector<16xi32> to vector<16xf32>
      %add3A_191 = arith.addf %get3A_5, %convert_element_type3A_190 : vector<16xf32>
      %le3A_192 = arith.cmpf ole, %add3A_191, %mul3A_179 : vector<16xf32>
      %lt3A_193 = arith.constant 0 : i32
      %lt3A_194 = vector.broadcast %lt3A_193 : i32 to vector<16xi32>
      %lt3A_195 = arith.cmpi slt, %add3A_189, %lt3A_194 : vector<16xi32>
      %or3A_196 = arith.ori %le3A_192, %lt3A_195 : vector<16xi1>
      %convert_element_type3A_197 = arith.extui %or3A_196 : vector<16xi1> to vector<16xi32>
      %add3A_198 = arith.addi %broadcast_in_dim3A_186, %convert_element_type3A_197 : vector<16xi32>
      %add3A_199 = arith.constant 1 : i32
      %add3A_200 = vector.broadcast %add3A_199 : i32 to vector<16xi32>
      %add3A_201 = arith.addi %sub3A_184, %add3A_200 : vector<16xi32>
      %convert_element_type3A_202 = arith.sitofp %add3A_201 : vector<16xi32> to vector<16xf32>
      %add3A_203 = arith.addf %get3A_5, %convert_element_type3A_202 : vector<16xf32>
      %le3A_204 = arith.cmpf ole, %add3A_203, %mul3A_179 : vector<16xf32>
      %lt3A_205 = arith.constant 0 : i32
      %lt3A_206 = vector.broadcast %lt3A_205 : i32 to vector<16xi32>
      %lt3A_207 = arith.cmpi slt, %add3A_201, %lt3A_206 : vector<16xi32>
      %or3A_208 = arith.ori %le3A_204, %lt3A_207 : vector<16xi1>
      %convert_element_type3A_209 = arith.extui %or3A_208 : vector<16xi1> to vector<16xi32>
      %add3A_210 = arith.addi %add3A_198, %convert_element_type3A_209 : vector<16xi32>
      %add3A_211 = arith.constant 2 : i32
      %add3A_212 = vector.broadcast %add3A_211 : i32 to vector<16xi32>
      %add3A_213 = arith.addi %sub3A_184, %add3A_212 : vector<16xi32>
      %convert_element_type3A_214 = arith.sitofp %add3A_213 : vector<16xi32> to vector<16xf32>
      %add3A_215 = arith.addf %get3A_5, %convert_element_type3A_214 : vector<16xf32>
      %le3A_216 = arith.cmpf ole, %add3A_215, %mul3A_179 : vector<16xf32>
      %lt3A_217 = arith.constant 0 : i32
      %lt3A_218 = vector.broadcast %lt3A_217 : i32 to vector<16xi32>
      %lt3A_219 = arith.cmpi slt, %add3A_213, %lt3A_218 : vector<16xi32>
      %or3A_220 = arith.ori %le3A_216, %lt3A_219 : vector<16xi1>
      %convert_element_type3A_221 = arith.extui %or3A_220 : vector<16xi1> to vector<16xi32>
      %add3A_222 = arith.addi %add3A_210, %convert_element_type3A_221 : vector<16xi32>
      %add3A_223 = arith.constant 3 : i32
      %add3A_224 = vector.broadcast %add3A_223 : i32 to vector<16xi32>
      %add3A_225 = arith.addi %sub3A_184, %add3A_224 : vector<16xi32>
      %convert_element_type3A_226 = arith.sitofp %add3A_225 : vector<16xi32> to vector<16xf32>
      %add3A_227 = arith.addf %get3A_5, %convert_element_type3A_226 : vector<16xf32>
      %le3A_228 = arith.cmpf ole, %add3A_227, %mul3A_179 : vector<16xf32>
      %lt3A_229 = arith.constant 0 : i32
      %lt3A_230 = vector.broadcast %lt3A_229 : i32 to vector<16xi32>
      %lt3A_231 = arith.cmpi slt, %add3A_225, %lt3A_230 : vector<16xi32>
      %or3A_232 = arith.ori %le3A_228, %lt3A_231 : vector<16xi1>
      %convert_element_type3A_233 = arith.extui %or3A_232 : vector<16xi1> to vector<16xi32>
      %add3A_234 = arith.addi %add3A_222, %convert_element_type3A_233 : vector<16xi32>
      %add3A_235 = arith.constant 4 : i32
      %add3A_236 = vector.broadcast %add3A_235 : i32 to vector<16xi32>
      %add3A_237 = arith.addi %sub3A_184, %add3A_236 : vector<16xi32>
      %convert_element_type3A_238 = arith.sitofp %add3A_237 : vector<16xi32> to vector<16xf32>
      %add3A_239 = arith.addf %get3A_5, %convert_element_type3A_238 : vector<16xf32>
      %le3A_240 = arith.cmpf ole, %add3A_239, %mul3A_179 : vector<16xf32>
      %lt3A_241 = arith.constant 0 : i32
      %lt3A_242 = vector.broadcast %lt3A_241 : i32 to vector<16xi32>
      %lt3A_243 = arith.cmpi slt, %add3A_237, %lt3A_242 : vector<16xi32>
      %or3A_244 = arith.ori %le3A_240, %lt3A_243 : vector<16xi1>
      %convert_element_type3A_245 = arith.extui %or3A_244 : vector<16xi1> to vector<16xi32>
      %add3A_246 = arith.addi %add3A_234, %convert_element_type3A_245 : vector<16xi32>
      %add3A_247 = arith.constant 5 : i32
      %add3A_248 = vector.broadcast %add3A_247 : i32 to vector<16xi32>
      %add3A_249 = arith.addi %sub3A_184, %add3A_248 : vector<16xi32>
      %convert_element_type3A_250 = arith.sitofp %add3A_249 : vector<16xi32> to vector<16xf32>
      %add3A_251 = arith.addf %get3A_5, %convert_element_type3A_250 : vector<16xf32>
      %le3A_252 = arith.cmpf ole, %add3A_251, %mul3A_179 : vector<16xf32>
      %lt3A_253 = arith.constant 0 : i32
      %lt3A_254 = vector.broadcast %lt3A_253 : i32 to vector<16xi32>
      %lt3A_255 = arith.cmpi slt, %add3A_249, %lt3A_254 : vector<16xi32>
      %or3A_256 = arith.ori %le3A_252, %lt3A_255 : vector<16xi1>
      %convert_element_type3A_257 = arith.extui %or3A_256 : vector<16xi1> to vector<16xi32>
      %add3A_258 = arith.addi %add3A_246, %convert_element_type3A_257 : vector<16xi32>
      %add3A_259 = arith.addi %sub3A_184, %add3A_258 : vector<16xi32>
      %jit3A_260 = arith.constant 0 : i32
      %jit3A_261 = arith.constant 1048576 : i32
      %max3A_262 = vector.broadcast %jit3A_260 : i32 to vector<16xi32>
      %max3A_263 = arith.maxsi %max3A_262, %add3A_259 : vector<16xi32>
      %min3A_264 = vector.broadcast %jit3A_261 : i32 to vector<16xi32>
      %min3A_265 = arith.minsi %min3A_264, %max3A_263 : vector<16xi32>
      %add3A_266 = arith.constant 1 : i32
      %add3A_267 = vector.broadcast %add3A_266 : i32 to vector<16xi32>
      %add3A_268 = arith.addi %add3A_176, %add3A_267 : vector<16xi32>
      %select_n3A_269 = arith.select %gt3A_11, %min3A_265, %add3A_268 : vector<16xi1>, vector<16xi32>
      %le3A_270 = vector.broadcast %mul3A_2 : i32 to vector<16xi32>
      %le3A_271 = arith.cmpi sle, %select_n3A_269, %le3A_270 : vector<16xi32>
      %convert_element_type3A_272 = arith.extui %le3A_271 : vector<16xi1> to vector<16xi32>
      %reduce_sum3A = arith.constant true
      %reduce_sum3A_273 = vector.broadcast %reduce_sum3A : i1 to vector<16xi1>
      %reduce_sum3A_274 = tpu.scan <sum>, %convert_element_type3A_272 masked %reduce_sum3A_273 : vector<16xi32>, vector<16xi1> -> vector<16xi32>
      %reduce_sum3A_275 = vector.extract %reduce_sum3A_274[15] : i32 from vector<16xi32>
      %add3A_276 = arith.addi %scan3A_160, %reduce_sum3A_275 : i32
      %jit3A_277 = arith.constant 0 : i32
      %broadcast_in_dim3A_278 = vector.broadcast %jit3A_277 : i32 to vector<16xi32>
      %select_n3A_279 = arith.select %le3A_271, %select_n3A_269, %broadcast_in_dim3A_278 : vector<16xi1>, vector<16xi32>
      %reduce_max3A_280 = arith.constant true
      %reduce_max3A_281 = vector.broadcast %reduce_max3A_280 : i1 to vector<16xi1>
      %reduce_max3A_282 = arith.constant -2147483648 : i32
      %reduce_max3A_283 = vector.broadcast %reduce_max3A_282 : i32 to vector<16xi32>
      %reduce_max3A_284 = arith.xori %select_n3A_279, %reduce_max3A_283 : vector<16xi32>
      %reduce_max3A_285 = tpu.scan <max>, %reduce_max3A_284 masked %reduce_max3A_281 : vector<16xi32>, vector<16xi1> -> vector<16xi32>
      %reduce_max3A_286 = arith.xori %reduce_max3A_285, %reduce_max3A_283 : vector<16xi32>
      %reduce_max3A_287 = vector.extract %reduce_max3A_286[15] : i32 from vector<16xi32>
      %max3A_288 = arith.maxsi %scan3A_161, %reduce_max3A_287 : i32
      scf.yield %add3A_276, %max3A_288 : i32, i32
    }
    %scan3A_18 = arith.constant 64 : i32
    %mul3A_19 = arith.constant 1024 : i32
    %mul3A_20 = arith.muli %scan3A_17#0, %mul3A_19 : i32
    %broadcast_in_dim3A = arith.constant 0 : i32
    %broadcast_in_dim3A_21 = vector.broadcast %broadcast_in_dim3A : i32 to vector<16xi32>
    %scan3A_22 = arith.constant 0 : i32
    %scan3A_23 = arith.constant 2048 : i32
    %scan3A_24 = arith.addi %scan3A_22, %scan3A_23 : i32
    %scan3A_25 = arith.constant 1 : i32
    scf.for %scan3A_159 = %scan3A_22 to %scan3A_24 step %scan3A_25  : i32 {
      %mul3A_160 = arith.constant 16 : i32
      %mul3A_161 = arith.muli %scan3A_159, %mul3A_160 : i32
      %add3A_162 = arith.constant 0 : i32
      %add3A_163 = arith.addi %add3A_162, %mul3A_161 : i32
      %swap3A = arith.index_cast %add3A_163 : i32 to index
      %swap3A_164 = tpu.vector_load %arg10[%swap3A] {strides = array<i32>} : memref<32768xi32, #tpu.memory_space<vmem>>, vector<16xi32>,
      tpu.vector_store %arg10[%swap3A], %broadcast_in_dim3A_21 {strides = array<i32>} : memref<32768xi32, #tpu.memory_space<vmem>>, vector<16xi32>,
    }
    %scan3A_26 = arith.constant 2048 : i32
    %ge3A = arith.constant 1048576 : i32
    %ge3A_27 = arith.cmpi sge, %mul3A_20, %ge3A : i32
    %while3A:3 = scf.while (%while3A_159 = %mul3A_20, %while3A_160 = %scan3A_17#1, %while3A_161 = %ge3A_27) : (i32, i32, i1) -> (i32, i32, i1) {
      %not3A = arith.constant true
      %not3A_162 = arith.xori %while3A_161, %not3A : i1
      scf.condition(%not3A_162) %while3A_159, %while3A_160, %while3A_161 : i32, i32, i1
    } do {
    ^bb0(%while3A_159: i32, %while3A_160: i32, %while3A_161: i1):
      %min3A_162 = arith.constant 1046528 : i32
      %min3A_163 = arith.minsi %while3A_159, %min3A_162 : i32
      %multiple_of3A = tpu.assume_multiple %min3A_163, 8 : i32
      "tpu.region"() ({
        %run_scoped3A = tpu.sem_alloc : memref<!tpu.dma_semaphore, #tpu.memory_space<semaphore_mem>>
        %dma_start3A = tpu.memref_slice %arg2[%multiple_of3A] : memref<1048576xf32, #tpu.memory_space<hbm>> -> memref<2048xf32, #tpu.memory_space<hbm>>
        %dma_start3A_178 = tpu.memref_slice %arg2[%multiple_of3A] : memref<1048576xf32, #tpu.memory_space<hbm>> -> memref<2048xf32, #tpu.memory_space<hbm>>
        tpu.enqueue_dma source(%dma_start3A_178 : memref<2048xf32, #tpu.memory_space<hbm>>) target(%arg9 : memref<2048xf32, #tpu.memory_space<vmem>>) target_semaphore(%run_scoped3A : memref<!tpu.dma_semaphore, #tpu.memory_space<semaphore_mem>>)
        %dma_wait3A = tpu.memref_slice %arg2[%multiple_of3A] : memref<1048576xf32, #tpu.memory_space<hbm>> -> memref<2048xf32, #tpu.memory_space<hbm>>
        %dma_wait3A_179 = tpu.memref_slice %arg2[%multiple_of3A] : memref<1048576xf32, #tpu.memory_space<hbm>> -> memref<2048xf32, #tpu.memory_space<hbm>>
        tpu.wait_dma2 semaphore(%run_scoped3A : memref<!tpu.dma_semaphore, #tpu.memory_space<semaphore_mem>>) src(%dma_wait3A_179 : memref<2048xf32, #tpu.memory_space<hbm>>) dst(%arg9 : memref<2048xf32, #tpu.memory_space<vmem>>)
        tpu.yield
      }) : () -> ()
      %scan3A_164 = arith.constant 0 : i32
      %scan3A_165 = arith.constant 128 : i32
      %scan3A_166 = arith.addi %scan3A_164, %scan3A_165 : i32
      %scan3A_167 = arith.constant 1 : i32
      %scan3A_168 = scf.for %scan3A_178 = %scan3A_164 to %scan3A_166 step %scan3A_167 iter_args(%scan3A_179 = %while3A_160) -> (i32)  : i32 {
        %mul3A_180 = arith.constant 16 : i32
        %mul3A_181 = arith.muli %scan3A_178, %mul3A_180 : i32
        %get3A_182 = arith.index_cast %mul3A_181 : i32 to index
        %get3A_183 = tpu.vector_load %arg9[%get3A_182] {strides = array<i32>} : memref<2048xf32, #tpu.memory_space<vmem>>, vector<16xf32>,
        %iota3A_184 = tpu.iota {dimensions = array<i32: 0>} : vector<16xi32>
        %mul3A_185 = arith.constant 16 : i32
        %mul3A_186 = arith.muli %scan3A_178, %mul3A_185 : i32
        %add3A_187 = arith.addi %multiple_of3A, %mul3A_186 : i32
        %add3A_188 = vector.broadcast %add3A_187 : i32 to vector<16xi32>
        %add3A_189 = arith.addi %iota3A_184, %add3A_188 : vector<16xi32>
        %mul3A_190 = arith.constant 0x49800000 : f32
        %mul3A_191 = vector.broadcast %mul3A_190 : f32 to vector<16xf32>
        %mul3A_192 = arith.mulf %get3A_183, %mul3A_191 : vector<16xf32>
        %sub3A_193 = arith.subf %mul3A_192, %get3A_5 : vector<16xf32>
        %convert_element_type3A_194 = arith.fptosi %sub3A_193 : vector<16xf32> to vector<16xi32>
        %sub3A_195 = arith.constant 2 : i32
        %sub3A_196 = vector.broadcast %sub3A_195 : i32 to vector<16xi32>
        %sub3A_197 = arith.subi %convert_element_type3A_194, %sub3A_196 : vector<16xi32>
        %broadcast_in_dim3A_198 = arith.constant 0 : i32
        %broadcast_in_dim3A_199 = vector.broadcast %broadcast_in_dim3A_198 : i32 to vector<16xi32>
        %add3A_200 = arith.constant 0 : i32
        %add3A_201 = vector.broadcast %add3A_200 : i32 to vector<16xi32>
        %add3A_202 = arith.addi %sub3A_197, %add3A_201 : vector<16xi32>
        %convert_element_type3A_203 = arith.sitofp %add3A_202 : vector<16xi32> to vector<16xf32>
        %add3A_204 = arith.addf %get3A_5, %convert_element_type3A_203 : vector<16xf32>
        %le3A_205 = arith.cmpf ole, %add3A_204, %mul3A_192 : vector<16xf32>
        %lt3A_206 = arith.constant 0 : i32
        %lt3A_207 = vector.broadcast %lt3A_206 : i32 to vector<16xi32>
        %lt3A_208 = arith.cmpi slt, %add3A_202, %lt3A_207 : vector<16xi32>
        %or3A_209 = arith.ori %le3A_205, %lt3A_208 : vector<16xi1>
        %convert_element_type3A_210 = arith.extui %or3A_209 : vector<16xi1> to vector<16xi32>
        %add3A_211 = arith.addi %broadcast_in_dim3A_199, %convert_element_type3A_210 : vector<16xi32>
        %add3A_212 = arith.constant 1 : i32
        %add3A_213 = vector.broadcast %add3A_212 : i32 to vector<16xi32>
        %add3A_214 = arith.addi %sub3A_197, %add3A_213 : vector<16xi32>
        %convert_element_type3A_215 = arith.sitofp %add3A_214 : vector<16xi32> to vector<16xf32>
        %add3A_216 = arith.addf %get3A_5, %convert_element_type3A_215 : vector<16xf32>
        %le3A_217 = arith.cmpf ole, %add3A_216, %mul3A_192 : vector<16xf32>
        %lt3A_218 = arith.constant 0 : i32
        %lt3A_219 = vector.broadcast %lt3A_218 : i32 to vector<16xi32>
        %lt3A_220 = arith.cmpi slt, %add3A_214, %lt3A_219 : vector<16xi32>
        %or3A_221 = arith.ori %le3A_217, %lt3A_220 : vector<16xi1>
        %convert_element_type3A_222 = arith.extui %or3A_221 : vector<16xi1> to vector<16xi32>
        %add3A_223 = arith.addi %add3A_211, %convert_element_type3A_222 : vector<16xi32>
        %add3A_224 = arith.constant 2 : i32
        %add3A_225 = vector.broadcast %add3A_224 : i32 to vector<16xi32>
        %add3A_226 = arith.addi %sub3A_197, %add3A_225 : vector<16xi32>
        %convert_element_type3A_227 = arith.sitofp %add3A_226 : vector<16xi32> to vector<16xf32>
        %add3A_228 = arith.addf %get3A_5, %convert_element_type3A_227 : vector<16xf32>
        %le3A_229 = arith.cmpf ole, %add3A_228, %mul3A_192 : vector<16xf32>
        %lt3A_230 = arith.constant 0 : i32
        %lt3A_231 = vector.broadcast %lt3A_230 : i32 to vector<16xi32>
        %lt3A_232 = arith.cmpi slt, %add3A_226, %lt3A_231 : vector<16xi32>
        %or3A_233 = arith.ori %le3A_229, %lt3A_232 : vector<16xi1>
        %convert_element_type3A_234 = arith.extui %or3A_233 : vector<16xi1> to vector<16xi32>
        %add3A_235 = arith.addi %add3A_223, %convert_element_type3A_234 : vector<16xi32>
        %add3A_236 = arith.constant 3 : i32
        %add3A_237 = vector.broadcast %add3A_236 : i32 to vector<16xi32>
        %add3A_238 = arith.addi %sub3A_197, %add3A_237 : vector<16xi32>
        %convert_element_type3A_239 = arith.sitofp %add3A_238 : vector<16xi32> to vector<16xf32>
        %add3A_240 = arith.addf %get3A_5, %convert_element_type3A_239 : vector<16xf32>
        %le3A_241 = arith.cmpf ole, %add3A_240, %mul3A_192 : vector<16xf32>
        %lt3A_242 = arith.constant 0 : i32
        %lt3A_243 = vector.broadcast %lt3A_242 : i32 to vector<16xi32>
        %lt3A_244 = arith.cmpi slt, %add3A_238, %lt3A_243 : vector<16xi32>
        %or3A_245 = arith.ori %le3A_241, %lt3A_244 : vector<16xi1>
        %convert_element_type3A_246 = arith.extui %or3A_245 : vector<16xi1> to vector<16xi32>
        %add3A_247 = arith.addi %add3A_235, %convert_element_type3A_246 : vector<16xi32>
        %add3A_248 = arith.constant 4 : i32
        %add3A_249 = vector.broadcast %add3A_248 : i32 to vector<16xi32>
        %add3A_250 = arith.addi %sub3A_197, %add3A_249 : vector<16xi32>
        %convert_element_type3A_251 = arith.sitofp %add3A_250 : vector<16xi32> to vector<16xf32>
        %add3A_252 = arith.addf %get3A_5, %convert_element_type3A_251 : vector<16xf32>
        %le3A_253 = arith.cmpf ole, %add3A_252, %mul3A_192 : vector<16xf32>
        %lt3A_254 = arith.constant 0 : i32
        %lt3A_255 = vector.broadcast %lt3A_254 : i32 to vector<16xi32>
        %lt3A_256 = arith.cmpi slt, %add3A_250, %lt3A_255 : vector<16xi32>
        %or3A_257 = arith.ori %le3A_253, %lt3A_256 : vector<16xi1>
        %convert_element_type3A_258 = arith.extui %or3A_257 : vector<16xi1> to vector<16xi32>
        %add3A_259 = arith.addi %add3A_247, %convert_element_type3A_258 : vector<16xi32>
        %add3A_260 = arith.constant 5 : i32
        %add3A_261 = vector.broadcast %add3A_260 : i32 to vector<16xi32>
        %add3A_262 = arith.addi %sub3A_197, %add3A_261 : vector<16xi32>
        %convert_element_type3A_263 = arith.sitofp %add3A_262 : vector<16xi32> to vector<16xf32>
        %add3A_264 = arith.addf %get3A_5, %convert_element_type3A_263 : vector<16xf32>
        %le3A_265 = arith.cmpf ole, %add3A_264, %mul3A_192 : vector<16xf32>
        %lt3A_266 = arith.constant 0 : i32
        %lt3A_267 = vector.broadcast %lt3A_266 : i32 to vector<16xi32>
        %lt3A_268 = arith.cmpi slt, %add3A_262, %lt3A_267 : vector<16xi32>
        %or3A_269 = arith.ori %le3A_265, %lt3A_268 : vector<16xi1>
        %convert_element_type3A_270 = arith.extui %or3A_269 : vector<16xi1> to vector<16xi32>
        %add3A_271 = arith.addi %add3A_259, %convert_element_type3A_270 : vector<16xi32>
        %add3A_272 = arith.addi %sub3A_197, %add3A_271 : vector<16xi32>
        %jit3A_273 = arith.constant 0 : i32
        %jit3A_274 = arith.constant 1048576 : i32
        %max3A_275 = vector.broadcast %jit3A_273 : i32 to vector<16xi32>
        %max3A_276 = arith.maxsi %max3A_275, %add3A_272 : vector<16xi32>
        %min3A_277 = vector.broadcast %jit3A_274 : i32 to vector<16xi32>
        %min3A_278 = arith.minsi %min3A_277, %max3A_276 : vector<16xi32>
        %add3A_279 = arith.constant 1 : i32
        %add3A_280 = vector.broadcast %add3A_279 : i32 to vector<16xi32>
        %add3A_281 = arith.addi %add3A_189, %add3A_280 : vector<16xi32>
        %select_n3A_282 = arith.select %gt3A_11, %min3A_278, %add3A_281 : vector<16xi1>, vector<16xi32>
        %iota3A_283 = tpu.iota {dimensions = array<i32: 0>} : vector<16xi32>
        %add3A_284 = arith.constant 15 : i32
        %add3A_285 = vector.broadcast %add3A_284 : i32 to vector<16xi32>
        %add3A_286 = arith.addi %iota3A_283, %add3A_285 : vector<16xi32>
        %and3A_287 = arith.constant 15 : i32
        %and3A_288 = vector.broadcast %and3A_287 : i32 to vector<16xi32>
        %and3A_289 = arith.andi %add3A_286, %and3A_288 : vector<16xi32>
        %lt3A_290 = arith.constant 0 : i32
        %lt3A_291 = vector.broadcast %lt3A_290 : i32 to vector<16xi32>
        %lt3A_292 = arith.cmpi slt, %and3A_289, %lt3A_291 : vector<16xi32>
        %add3A_293 = arith.constant 16 : i32
        %add3A_294 = vector.broadcast %add3A_293 : i32 to vector<16xi32>
        %add3A_295 = arith.addi %and3A_289, %add3A_294 : vector<16xi32>
        %select_n3A_296 = arith.select %lt3A_292, %add3A_295, %and3A_289 : vector<16xi1>, vector<16xi32>
        %broadcast_in_dim3A_297 = vector.shape_cast %select_n3A_296 : vector<16xi32> to vector<16x1xi32>
        %gather3A = vector.shape_cast %broadcast_in_dim3A_297 : vector<16x1xi32> to vector<16xi32>
        %gather3A_298 = tpu.dynamic_gather %select_n3A_282[%gather3A] in [0] : vector<16xi32>, vector<16xi32> -> vector<16xi32>
        %eq3A_299 = arith.constant 0 : i32
        %eq3A_300 = vector.broadcast %eq3A_299 : i32 to vector<16xi32>
        %eq3A_301 = arith.cmpi eq, %iota3A_283, %eq3A_300 : vector<16xi32>
        %broadcast_in_dim3A_302 = vector.broadcast %scan3A_179 : i32 to vector<16xi32>
        %select_n3A_303 = arith.select %eq3A_301, %broadcast_in_dim3A_302, %gather3A_298 : vector<16xi1>, vector<16xi32>
        %sub3A_304 = vector.broadcast %mul3A_2 : i32 to vector<16xi32>
        %sub3A_305 = arith.subi %select_n3A_303, %sub3A_304 : vector<16xi32>
        %max3A_306 = arith.constant 0 : i32
        %max3A_307 = vector.broadcast %max3A_306 : i32 to vector<16xi32>
        %max3A_308 = arith.maxsi %sub3A_305, %max3A_307 : vector<16xi32>
        %gt3A_309 = arith.cmpi sgt, %select_n3A_282, %select_n3A_303 : vector<16xi32>
        %gt3A_310 = vector.broadcast %mul3A_2 : i32 to vector<16xi32>
        %gt3A_311 = arith.cmpi sgt, %select_n3A_282, %gt3A_310 : vector<16xi32>
        %and3A_312 = arith.andi %gt3A_309, %gt3A_311 : vector<16xi1>
        %lt3A_313 = arith.constant 32768 : i32
        %lt3A_314 = vector.broadcast %lt3A_313 : i32 to vector<16xi32>
        %lt3A_315 = arith.cmpi slt, %max3A_308, %lt3A_314 : vector<16xi32>
        %and3A_316 = arith.andi %and3A_312, %lt3A_315 : vector<16xi1>
        %add3A_317 = arith.constant 1 : i32
        %add3A_318 = vector.broadcast %add3A_317 : i32 to vector<16xi32>
        %add3A_319 = arith.addi %add3A_189, %add3A_318 : vector<16xi32>
        tpu.vector_store_idx %arg10[%max3A_308], %add3A_319 masked %and3A_316 : memref<32768xi32, #tpu.memory_space<vmem>>[vector<16xi32>], vector<16xi32>, vector<16xi1>
        %reduce_max3A_320 = arith.constant true
        %reduce_max3A_321 = vector.broadcast %reduce_max3A_320 : i1 to vector<16xi1>
        %reduce_max3A_322 = arith.constant -2147483648 : i32
        %reduce_max3A_323 = vector.broadcast %reduce_max3A_322 : i32 to vector<16xi32>
        %reduce_max3A_324 = arith.xori %select_n3A_282, %reduce_max3A_323 : vector<16xi32>
        %reduce_max3A_325 = tpu.scan <max>, %reduce_max3A_324 masked %reduce_max3A_321 : vector<16xi32>, vector<16xi1> -> vector<16xi32>
        %reduce_max3A_326 = arith.xori %reduce_max3A_325, %reduce_max3A_323 : vector<16xi32>
        %reduce_max3A_327 = vector.extract %reduce_max3A_326[15] : i32 from vector<16xi32>
        scf.yield %reduce_max3A_327 : i32
      }
      %scan3A_169 = arith.constant 128 : i32
      %add3A_170 = arith.constant 2048 : i32
      %add3A_171 = arith.addi %multiple_of3A, %add3A_170 : i32
      %add3A_172 = arith.constant 32768 : i32
      %add3A_173 = arith.addi %mul3A_2, %add3A_172 : i32
      %ge3A_174 = arith.cmpi sge, %scan3A_168, %add3A_173 : i32
      %ge3A_175 = arith.constant 1048576 : i32
      %ge3A_176 = arith.cmpi sge, %add3A_171, %ge3A_175 : i32
      %or3A_177 = arith.ori %ge3A_174, %ge3A_176 : i1
      scf.yield %add3A_171, %scan3A_168, %or3A_177 : i32, i32, i1
    }
    "tpu.region"() ({
      %run_scoped3A = tpu.sem_alloc : memref<!tpu.dma_semaphore, #tpu.memory_space<semaphore_mem>>
      %dma_start3A = arith.constant 0 : i32
      %dma_start3A_159 = tpu.memref_slice %arg9[%dma_start3A] : memref<2048xf32, #tpu.memory_space<vmem>> -> memref<16xf32, #tpu.memory_space<vmem>>
      %dma_start3A_160 = arith.constant 1048560 : i32
      %dma_start3A_161 = tpu.memref_slice %arg2[%dma_start3A_160] : memref<1048576xf32, #tpu.memory_space<hbm>> -> memref<16xf32, #tpu.memory_space<hbm>>
      %dma_start3A_162 = arith.constant 0 : i32
      %dma_start3A_163 = tpu.memref_slice %arg9[%dma_start3A_162] : memref<2048xf32, #tpu.memory_space<vmem>> -> memref<16xf32, #tpu.memory_space<vmem>>
      %dma_start3A_164 = arith.constant 1048560 : i32
      %dma_start3A_165 = tpu.memref_slice %arg2[%dma_start3A_164] : memref<1048576xf32, #tpu.memory_space<hbm>> -> memref<16xf32, #tpu.memory_space<hbm>>
      tpu.enqueue_dma source(%dma_start3A_165 : memref<16xf32, #tpu.memory_space<hbm>>) target(%dma_start3A_163 : memref<16xf32, #tpu.memory_space<vmem>>) target_semaphore(%run_scoped3A : memref<!tpu.dma_semaphore, #tpu.memory_space<semaphore_mem>>)
      %dma_wait3A = arith.constant 0 : i32
      %dma_wait3A_166 = tpu.memref_slice %arg9[%dma_wait3A] : memref<2048xf32, #tpu.memory_space<vmem>> -> memref<16xf32, #tpu.memory_space<vmem>>
      %dma_wait3A_167 = arith.constant 1048560 : i32
      %dma_wait3A_168 = tpu.memref_slice %arg2[%dma_wait3A_167] : memref<1048576xf32, #tpu.memory_space<hbm>> -> memref<16xf32, #tpu.memory_space<hbm>>
      %dma_wait3A_169 = arith.constant 0 : i32
      %dma_wait3A_170 = tpu.memref_slice %arg9[%dma_wait3A_169] : memref<2048xf32, #tpu.memory_space<vmem>> -> memref<16xf32, #tpu.memory_space<vmem>>
      %dma_wait3A_171 = arith.constant 1048560 : i32
      %dma_wait3A_172 = tpu.memref_slice %arg2[%dma_wait3A_171] : memref<1048576xf32, #tpu.memory_space<hbm>> -> memref<16xf32, #tpu.memory_space<hbm>>
      tpu.wait_dma2 semaphore(%run_scoped3A : memref<!tpu.dma_semaphore, #tpu.memory_space<semaphore_mem>>) src(%dma_wait3A_172 : memref<16xf32, #tpu.memory_space<hbm>>) dst(%dma_wait3A_170 : memref<16xf32, #tpu.memory_space<vmem>>)
      tpu.yield
    }) : () -> ()
    %get3A_28 = arith.constant 0 : index
    %get3A_29 = tpu.vector_load %arg9[%get3A_28] {strides = array<i32>} : memref<2048xf32, #tpu.memory_space<vmem>>, vector<16xf32>,
    %iota3A = tpu.iota {dimensions = array<i32: 0>} : vector<16xi32>
    %add3A_30 = arith.constant 1048560 : i32
    %add3A_31 = vector.broadcast %add3A_30 : i32 to vector<16xi32>
    %add3A_32 = arith.addi %iota3A, %add3A_31 : vector<16xi32>
    %mul3A_33 = arith.constant 0x49800000 : f32
    %mul3A_34 = vector.broadcast %mul3A_33 : f32 to vector<16xf32>
    %mul3A_35 = arith.mulf %get3A_29, %mul3A_34 : vector<16xf32>
    %sub3A = arith.subf %mul3A_35, %get3A_5 : vector<16xf32>
    %convert_element_type3A = arith.fptosi %sub3A : vector<16xf32> to vector<16xi32>
    %sub3A_36 = arith.constant 2 : i32
    %sub3A_37 = vector.broadcast %sub3A_36 : i32 to vector<16xi32>
    %sub3A_38 = arith.subi %convert_element_type3A, %sub3A_37 : vector<16xi32>
    %broadcast_in_dim3A_39 = arith.constant 0 : i32
    %broadcast_in_dim3A_40 = vector.broadcast %broadcast_in_dim3A_39 : i32 to vector<16xi32>
    %add3A_41 = arith.constant 0 : i32
    %add3A_42 = vector.broadcast %add3A_41 : i32 to vector<16xi32>
    %add3A_43 = arith.addi %sub3A_38, %add3A_42 : vector<16xi32>
    %convert_element_type3A_44 = arith.sitofp %add3A_43 : vector<16xi32> to vector<16xf32>
    %add3A_45 = arith.addf %get3A_5, %convert_element_type3A_44 : vector<16xf32>
    %le3A = arith.cmpf ole, %add3A_45, %mul3A_35 : vector<16xf32>
    %lt3A = arith.constant 0 : i32
    %lt3A_46 = vector.broadcast %lt3A : i32 to vector<16xi32>
    %lt3A_47 = arith.cmpi slt, %add3A_43, %lt3A_46 : vector<16xi32>
    %or3A = arith.ori %le3A, %lt3A_47 : vector<16xi1>
    %convert_element_type3A_48 = arith.extui %or3A : vector<16xi1> to vector<16xi32>
    %add3A_49 = arith.addi %broadcast_in_dim3A_40, %convert_element_type3A_48 : vector<16xi32>
    %add3A_50 = arith.constant 1 : i32
    %add3A_51 = vector.broadcast %add3A_50 : i32 to vector<16xi32>
    %add3A_52 = arith.addi %sub3A_38, %add3A_51 : vector<16xi32>
    %convert_element_type3A_53 = arith.sitofp %add3A_52 : vector<16xi32> to vector<16xf32>
    %add3A_54 = arith.addf %get3A_5, %convert_element_type3A_53 : vector<16xf32>
    %le3A_55 = arith.cmpf ole, %add3A_54, %mul3A_35 : vector<16xf32>
    %lt3A_56 = arith.constant 0 : i32
    %lt3A_57 = vector.broadcast %lt3A_56 : i32 to vector<16xi32>
    %lt3A_58 = arith.cmpi slt, %add3A_52, %lt3A_57 : vector<16xi32>
    %or3A_59 = arith.ori %le3A_55, %lt3A_58 : vector<16xi1>
    %convert_element_type3A_60 = arith.extui %or3A_59 : vector<16xi1> to vector<16xi32>
    %add3A_61 = arith.addi %add3A_49, %convert_element_type3A_60 : vector<16xi32>
    %add3A_62 = arith.constant 2 : i32
    %add3A_63 = vector.broadcast %add3A_62 : i32 to vector<16xi32>
    %add3A_64 = arith.addi %sub3A_38, %add3A_63 : vector<16xi32>
    %convert_element_type3A_65 = arith.sitofp %add3A_64 : vector<16xi32> to vector<16xf32>
    %add3A_66 = arith.addf %get3A_5, %convert_element_type3A_65 : vector<16xf32>
    %le3A_67 = arith.cmpf ole, %add3A_66, %mul3A_35 : vector<16xf32>
    %lt3A_68 = arith.constant 0 : i32
    %lt3A_69 = vector.broadcast %lt3A_68 : i32 to vector<16xi32>
    %lt3A_70 = arith.cmpi slt, %add3A_64, %lt3A_69 : vector<16xi32>
    %or3A_71 = arith.ori %le3A_67, %lt3A_70 : vector<16xi1>
    %convert_element_type3A_72 = arith.extui %or3A_71 : vector<16xi1> to vector<16xi32>
    %add3A_73 = arith.addi %add3A_61, %convert_element_type3A_72 : vector<16xi32>
    %add3A_74 = arith.constant 3 : i32
    %add3A_75 = vector.broadcast %add3A_74 : i32 to vector<16xi32>
    %add3A_76 = arith.addi %sub3A_38, %add3A_75 : vector<16xi32>
    %convert_element_type3A_77 = arith.sitofp %add3A_76 : vector<16xi32> to vector<16xf32>
    %add3A_78 = arith.addf %get3A_5, %convert_element_type3A_77 : vector<16xf32>
    %le3A_79 = arith.cmpf ole, %add3A_78, %mul3A_35 : vector<16xf32>
    %lt3A_80 = arith.constant 0 : i32
    %lt3A_81 = vector.broadcast %lt3A_80 : i32 to vector<16xi32>
    %lt3A_82 = arith.cmpi slt, %add3A_76, %lt3A_81 : vector<16xi32>
    %or3A_83 = arith.ori %le3A_79, %lt3A_82 : vector<16xi1>
    %convert_element_type3A_84 = arith.extui %or3A_83 : vector<16xi1> to vector<16xi32>
    %add3A_85 = arith.addi %add3A_73, %convert_element_type3A_84 : vector<16xi32>
    %add3A_86 = arith.constant 4 : i32
    %add3A_87 = vector.broadcast %add3A_86 : i32 to vector<16xi32>
    %add3A_88 = arith.addi %sub3A_38, %add3A_87 : vector<16xi32>
    %convert_element_type3A_89 = arith.sitofp %add3A_88 : vector<16xi32> to vector<16xf32>
    %add3A_90 = arith.addf %get3A_5, %convert_element_type3A_89 : vector<16xf32>
    %le3A_91 = arith.cmpf ole, %add3A_90, %mul3A_35 : vector<16xf32>
    %lt3A_92 = arith.constant 0 : i32
    %lt3A_93 = vector.broadcast %lt3A_92 : i32 to vector<16xi32>
    %lt3A_94 = arith.cmpi slt, %add3A_88, %lt3A_93 : vector<16xi32>
    %or3A_95 = arith.ori %le3A_91, %lt3A_94 : vector<16xi1>
    %convert_element_type3A_96 = arith.extui %or3A_95 : vector<16xi1> to vector<16xi32>
    %add3A_97 = arith.addi %add3A_85, %convert_element_type3A_96 : vector<16xi32>
    %add3A_98 = arith.constant 5 : i32
    %add3A_99 = vector.broadcast %add3A_98 : i32 to vector<16xi32>
    %add3A_100 = arith.addi %sub3A_38, %add3A_99 : vector<16xi32>
    %convert_element_type3A_101 = arith.sitofp %add3A_100 : vector<16xi32> to vector<16xf32>
    %add3A_102 = arith.addf %get3A_5, %convert_element_type3A_101 : vector<16xf32>
    %le3A_103 = arith.cmpf ole, %add3A_102, %mul3A_35 : vector<16xf32>
    %lt3A_104 = arith.constant 0 : i32
    %lt3A_105 = vector.broadcast %lt3A_104 : i32 to vector<16xi32>
    %lt3A_106 = arith.cmpi slt, %add3A_100, %lt3A_105 : vector<16xi32>
    %or3A_107 = arith.ori %le3A_103, %lt3A_106 : vector<16xi1>
    %convert_element_type3A_108 = arith.extui %or3A_107 : vector<16xi1> to vector<16xi32>
    %add3A_109 = arith.addi %add3A_97, %convert_element_type3A_108 : vector<16xi32>
    %add3A_110 = arith.addi %sub3A_38, %add3A_109 : vector<16xi32>
    %jit3A = arith.constant 0 : i32
    %jit3A_111 = arith.constant 1048576 : i32
    %max3A = vector.broadcast %jit3A : i32 to vector<16xi32>
    %max3A_112 = arith.maxsi %max3A, %add3A_110 : vector<16xi32>
    %min3A = vector.broadcast %jit3A_111 : i32 to vector<16xi32>
    %min3A_113 = arith.minsi %min3A, %max3A_112 : vector<16xi32>
    %add3A_114 = arith.constant 1 : i32
    %add3A_115 = vector.broadcast %add3A_114 : i32 to vector<16xi32>
    %add3A_116 = arith.addi %add3A_32, %add3A_115 : vector<16xi32>
    %select_n3A = arith.select %gt3A_11, %min3A_113, %add3A_116 : vector<16xi1>, vector<16xi32>
    %reduce_max3A = arith.constant true
    %reduce_max3A_117 = vector.broadcast %reduce_max3A : i1 to vector<16xi1>
    %reduce_max3A_118 = arith.constant -2147483648 : i32
    %reduce_max3A_119 = vector.broadcast %reduce_max3A_118 : i32 to vector<16xi32>
    %reduce_max3A_120 = arith.xori %select_n3A, %reduce_max3A_119 : vector<16xi32>
    %reduce_max3A_121 = tpu.scan <max>, %reduce_max3A_120 masked %reduce_max3A_117 : vector<16xi32>, vector<16xi1> -> vector<16xi32>
    %reduce_max3A_122 = arith.xori %reduce_max3A_121, %reduce_max3A_119 : vector<16xi32>
    %reduce_max3A_123 = vector.extract %reduce_max3A_122[15] : i32 from vector<16xi32>
    %sub3A_124 = arith.subi %reduce_max3A_123, %mul3A_2 : i32
    %max3A_125 = arith.constant 0 : i32
    %max3A_126 = arith.maxsi %sub3A_124, %max3A_125 : i32
    %iota3A_127 = tpu.iota {dimensions = array<i32: 0>} : vector<16xi32>
    %eq3A = arith.constant 0 : i32
    %eq3A_128 = vector.broadcast %eq3A : i32 to vector<16xi32>
    %eq3A_129 = arith.cmpi eq, %iota3A_127, %eq3A_128 : vector<16xi32>
    %sub3A_130 = arith.subi %reduce_max3A_123, %mul3A_2 : i32
    %lt3A_131 = arith.constant 32768 : i32
    %lt3A_132 = arith.cmpi slt, %sub3A_130, %lt3A_131 : i32
    %and3A = vector.broadcast %lt3A_132 : i1 to vector<16xi1>
    %and3A_133 = arith.andi %eq3A_129, %and3A : vector<16xi1>
    %le3A_134 = arith.constant 1048575 : i32
    %le3A_135 = arith.cmpi sle, %reduce_max3A_123, %le3A_134 : i32
    %and3A_136 = vector.broadcast %le3A_135 : i1 to vector<16xi1>
    %and3A_137 = arith.andi %and3A_133, %and3A_136 : vector<16xi1>
    %broadcast_in_dim3A_138 = arith.constant 0 : i32
    %broadcast_in_dim3A_139 = vector.broadcast %broadcast_in_dim3A_138 : i32 to vector<16xi32>
    %add3A_140 = vector.broadcast %max3A_126 : i32 to vector<16xi32>
    %add3A_141 = arith.addi %broadcast_in_dim3A_139, %add3A_140 : vector<16xi32>
    %broadcast_in_dim3A_142 = arith.constant 0 : i32
    %broadcast_in_dim3A_143 = vector.broadcast %broadcast_in_dim3A_142 : i32 to vector<16xi32>
    %add3A_144 = arith.constant 1048576 : i32
    %add3A_145 = vector.broadcast %add3A_144 : i32 to vector<16xi32>
    %add3A_146 = arith.addi %broadcast_in_dim3A_143, %add3A_145 : vector<16xi32>
    tpu.vector_store_idx %arg10[%add3A_141], %add3A_146 masked %and3A_137 : memref<32768xi32, #tpu.memory_space<vmem>>[vector<16xi32>], vector<16xi32>, vector<16xi1>
    %scan3A_147 = arith.constant 0 : i32
    %scan3A_148 = arith.constant 0 : i32
    %scan3A_149 = arith.constant 2048 : i32
    %scan3A_150 = arith.addi %scan3A_148, %scan3A_149 : i32
    %scan3A_151 = arith.constant 1 : i32
    %scan3A_152 = scf.for %scan3A_159 = %scan3A_148 to %scan3A_150 step %scan3A_151 iter_args(%scan3A_160 = %scan3A_147) -> (i32)  : i32 {
      %mul3A_161 = arith.constant 16 : i32
      %mul3A_162 = arith.muli %scan3A_159, %mul3A_161 : i32
      %get3A_163 = arith.index_cast %mul3A_162 : i32 to index
      %get3A_164 = tpu.vector_load %arg10[%get3A_163] {strides = array<i32>} : memref<32768xi32, #tpu.memory_space<vmem>>, vector<16xi32>,
      %broadcast_in_dim3A_165 = arith.constant true
      %broadcast_in_dim3A_166 = vector.broadcast %broadcast_in_dim3A_165 : i1 to vector<16xi1>
      %masked_cummax3A = arith.constant -2147483648 : i32
      %masked_cummax3A_167 = vector.broadcast %masked_cummax3A : i32 to vector<16xi32>
      %masked_cummax3A_168 = arith.xori %get3A_164, %masked_cummax3A_167 : vector<16xi32>
      %masked_cummax3A_169 = tpu.scan <max>, %masked_cummax3A_168 masked %broadcast_in_dim3A_166 : vector<16xi32>, vector<16xi1> -> vector<16xi32>
      %masked_cummax3A_170 = arith.xori %masked_cummax3A_169, %masked_cummax3A_167 : vector<16xi32>
      %max3A_171 = vector.broadcast %scan3A_160 : i32 to vector<16xi32>
      %max3A_172 = arith.maxsi %masked_cummax3A_170, %max3A_171 : vector<16xi32>
      %sub3A_173 = arith.constant 1 : i32
      %sub3A_174 = vector.broadcast %sub3A_173 : i32 to vector<16xi32>
      %sub3A_175 = arith.subi %max3A_172, %sub3A_174 : vector<16xi32>
      %mul3A_176 = arith.constant 16 : i32
      %mul3A_177 = arith.muli %scan3A_159, %mul3A_176 : i32
      %swap3A = arith.index_cast %mul3A_177 : i32 to index
      %swap3A_178 = tpu.vector_load %arg10[%swap3A] {strides = array<i32>} : memref<32768xi32, #tpu.memory_space<vmem>>, vector<16xi32>,
      tpu.vector_store %arg10[%swap3A], %sub3A_175 {strides = array<i32>} : memref<32768xi32, #tpu.memory_space<vmem>>, vector<16xi32>,
      %reduce_max3A_179 = arith.constant true
      %reduce_max3A_180 = vector.broadcast %reduce_max3A_179 : i1 to vector<16xi1>
      %reduce_max3A_181 = arith.constant -2147483648 : i32
      %reduce_max3A_182 = vector.broadcast %reduce_max3A_181 : i32 to vector<16xi32>
      %reduce_max3A_183 = arith.xori %max3A_172, %reduce_max3A_182 : vector<16xi32>
      %reduce_max3A_184 = tpu.scan <max>, %reduce_max3A_183 masked %reduce_max3A_180 : vector<16xi32>, vector<16xi1> -> vector<16xi32>
      %reduce_max3A_185 = arith.xori %reduce_max3A_184, %reduce_max3A_182 : vector<16xi32>
      %reduce_max3A_186 = vector.extract %reduce_max3A_185[15] : i32 from vector<16xi32>
      scf.yield %reduce_max3A_186 : i32
    }
    %scan3A_153 = arith.constant 2048 : i32
    "tpu.region"() ({
      %run_scoped3A = tpu.sem_alloc : memref<!tpu.dma_semaphore, #tpu.memory_space<semaphore_mem>>
      %dma_start3A = tpu.memref_slice %arg6[%mul3A_2] : memref<1048576xi32, #tpu.memory_space<hbm>> -> memref<32768xi32, #tpu.memory_space<hbm>>
      %dma_start3A_159 = tpu.memref_slice %arg6[%mul3A_2] : memref<1048576xi32, #tpu.memory_space<hbm>> -> memref<32768xi32, #tpu.memory_space<hbm>>
      tpu.enqueue_dma source(%arg10 : memref<32768xi32, #tpu.memory_space<vmem>>) target(%dma_start3A_159 : memref<32768xi32, #tpu.memory_space<hbm>>) target_semaphore(%run_scoped3A : memref<!tpu.dma_semaphore, #tpu.memory_space<semaphore_mem>>)
      %dma_wait3A = tpu.memref_slice %arg6[%mul3A_2] : memref<1048576xi32, #tpu.memory_space<hbm>> -> memref<32768xi32, #tpu.memory_space<hbm>>
      %dma_wait3A_160 = tpu.memref_slice %arg6[%mul3A_2] : memref<1048576xi32, #tpu.memory_space<hbm>> -> memref<32768xi32, #tpu.memory_space<hbm>>
      tpu.wait_dma2 semaphore(%run_scoped3A : memref<!tpu.dma_semaphore, #tpu.memory_space<semaphore_mem>>) src(%arg10 : memref<32768xi32, #tpu.memory_space<vmem>>) dst(%dma_wait3A_160 : memref<32768xi32, #tpu.memory_space<hbm>>)
      tpu.yield
    }) : () -> ()
    %scan3A_154 = arith.constant 0 : i32
    %scan3A_155 = arith.constant 16 : i32
    %scan3A_156 = arith.addi %scan3A_154, %scan3A_155 : i32
    %scan3A_157 = arith.constant 1 : i32
    scf.for %scan3A_159 = %scan3A_154 to %scan3A_156 step %scan3A_157  : i32 {
      %mul3A_160 = arith.constant 2048 : i32
      %mul3A_161 = arith.muli %scan3A_159, %mul3A_160 : i32
      %add3A_162 = arith.constant 0 : i32
      %add3A_163 = arith.addi %add3A_162, %mul3A_161 : i32
      %scan3A_164 = arith.constant 0 : i32
      %scan3A_165 = arith.constant 16 : i32
      %scan3A_166 = arith.addi %scan3A_164, %scan3A_165 : i32
      %scan3A_167 = arith.constant 1 : i32
      scf.for %scan3A_175 = %scan3A_164 to %scan3A_166 step %scan3A_167  : i32 {
        %mul3A_176 = arith.constant 128 : i32
        %mul3A_177 = arith.muli %scan3A_175, %mul3A_176 : i32
        %add3A_178 = arith.constant 0 : i32
        %add3A_179 = arith.addi %add3A_178, %mul3A_177 : i32
        %add3A_180 = arith.addi %add3A_163, %add3A_179 : i32
        %dma_start3A = arith.constant 0 : i32
        %dma_start3A_181 = tpu.memref_slice %arg11[%add3A_179, %dma_start3A] : memref<2048x16xf32, #tpu.memory_space<vmem>> -> memref<128x16xf32, #tpu.memory_space<vmem>>
        %dma_start3A_182 = tpu.memref_slice %arg10[%add3A_180] : memref<32768xi32, #tpu.memory_space<vmem>> -> memref<128xi32, #tpu.memory_space<vmem>>
        %dma_start3A_183 = arith.constant 0 : i32
        %dma_start3A_184 = arith.constant 0 : i32
        %dma_start3A_185 = tpu.memref_slice %arg5[%dma_start3A_183, %dma_start3A_184] : memref<1048576x16xf32, #tpu.memory_space<hbm>> -> memref<1048576x16xf32, #tpu.memory_space<hbm>>
        tpu.enqueue_indirect_dma source(%dma_start3A_185 : memref<1048576x16xf32, #tpu.memory_space<hbm>>) target(%dma_start3A_181 : memref<128x16xf32, #tpu.memory_space<vmem>>) offsets(%dma_start3A_182 : memref<128xi32, #tpu.memory_space<vmem>>) semaphore(%arg13 : memref<!tpu.dma_semaphore, #tpu.memory_space<semaphore_mem>>)
      }
      %scan3A_168 = arith.constant 16 : i32
      %scan3A_169 = arith.constant 0 : i32
      %scan3A_170 = arith.constant 16 : i32
      %scan3A_171 = arith.addi %scan3A_169, %scan3A_170 : i32
      %scan3A_172 = arith.constant 1 : i32
      scf.for %scan3A_175 = %scan3A_169 to %scan3A_171 step %scan3A_172  : i32 {
        %mul3A_176 = arith.constant 128 : i32
        %mul3A_177 = arith.muli %scan3A_175, %mul3A_176 : i32
        %add3A_178 = arith.constant 0 : i32
        %add3A_179 = arith.addi %add3A_178, %mul3A_177 : i32
        %add3A_180 = arith.addi %add3A_163, %add3A_179 : i32
        %dma_wait3A = arith.constant 0 : i32
        %dma_wait3A_181 = tpu.memref_slice %arg11[%add3A_179, %dma_wait3A] : memref<2048x16xf32, #tpu.memory_space<vmem>> -> memref<128x16xf32, #tpu.memory_space<vmem>>
        %dma_wait3A_182 = tpu.memref_slice %arg10[%add3A_180] : memref<32768xi32, #tpu.memory_space<vmem>> -> memref<128xi32, #tpu.memory_space<vmem>>
        %dma_wait3A_183 = arith.constant 0 : i32
        %dma_wait3A_184 = arith.constant 0 : i32
        %dma_wait3A_185 = tpu.memref_slice %arg5[%dma_wait3A_183, %dma_wait3A_184] : memref<1048576x16xf32, #tpu.memory_space<hbm>> -> memref<1048576x16xf32, #tpu.memory_space<hbm>>
        tpu.wait_indirect_dma semaphore(%arg13 : memref<!tpu.dma_semaphore, #tpu.memory_space<semaphore_mem>>) src(%dma_wait3A_185 : memref<1048576x16xf32, #tpu.memory_space<hbm>>) dst(%dma_wait3A_181 : memref<128x16xf32, #tpu.memory_space<vmem>>)
      }
      %scan3A_173 = arith.constant 16 : i32
      %add3A_174 = arith.addi %mul3A_2, %add3A_163 : i32
      "tpu.region"() ({
        %run_scoped3A = tpu.sem_alloc : memref<!tpu.dma_semaphore, #tpu.memory_space<semaphore_mem>>
        %dma_start3A = arith.constant 0 : i32
        %dma_start3A_175 = tpu.memref_slice %arg7[%add3A_174, %dma_start3A] : memref<1048576x16xf32, #tpu.memory_space<hbm>> -> memref<2048x16xf32, #tpu.memory_space<hbm>>
        %dma_start3A_176 = arith.constant 0 : i32
        %dma_start3A_177 = tpu.memref_slice %arg7[%add3A_174, %dma_start3A_176] : memref<1048576x16xf32, #tpu.memory_space<hbm>> -> memref<2048x16xf32, #tpu.memory_space<hbm>>
        tpu.enqueue_dma source(%arg11 : memref<2048x16xf32, #tpu.memory_space<vmem>>) target(%dma_start3A_177 : memref<2048x16xf32, #tpu.memory_space<hbm>>) target_semaphore(%run_scoped3A : memref<!tpu.dma_semaphore, #tpu.memory_space<semaphore_mem>>)
        %dma_wait3A = arith.constant 0 : i32
        %dma_wait3A_178 = tpu.memref_slice %arg7[%add3A_174, %dma_wait3A] : memref<1048576x16xf32, #tpu.memory_space<hbm>> -> memref<2048x16xf32, #tpu.memory_space<hbm>>
        %dma_wait3A_179 = arith.constant 0 : i32
        %dma_wait3A_180 = tpu.memref_slice %arg7[%add3A_174, %dma_wait3A_179] : memref<1048576x16xf32, #tpu.memory_space<hbm>> -> memref<2048x16xf32, #tpu.memory_space<hbm>>
        tpu.wait_dma2 semaphore(%run_scoped3A : memref<!tpu.dma_semaphore, #tpu.memory_space<semaphore_mem>>) src(%arg11 : memref<2048x16xf32, #tpu.memory_space<vmem>>) dst(%dma_wait3A_180 : memref<2048x16xf32, #tpu.memory_space<hbm>>)
        tpu.yield
      }) : () -> ()
    }
    %scan3A_158 = arith.constant 16 : i32
    return
  }
}

module attributes {stable_mosaic.version = 14 : i64} {
  func.func @_tc_noise_kernel(%arg0: i32, %arg1: memref<1x2xi32, #tpu.memory_space<vmem>>, %arg2: memref<512x128xf32, #tpu.memory_space<vmem>>) attributes {dimension_semantics = [#tpu.dimension_semantics<arbitrary>], iteration_bounds = array<i64: 256>, scalar_prefetch = 0 : i64, scratch_operands = 0 : i64, tpu.core_type = #tpu.core_type<tc>, window_params = [{pipeline_mode = #tpu.pipeline_mode<synchronous>, transform_indices = @transform_0, window_bounds = array<i64: 1, 2>}, {transform_indices = @transform_1, window_bounds = array<i64: 512, 128>}]} {
    %get3A = arith.constant 0 : index
    %get3A_0 = arith.constant 0 : index
    %get3A_1 = vector.load %arg1[%get3A, %get3A_0] : memref<1x2xi32, #tpu.memory_space<vmem>>, vector<1x1xi32>
    %get3A_2 = vector.extract %get3A_1[0, 0] : i32 from vector<1x1xi32>
    %get3A_3 = arith.constant 0 : index
    %get3A_4 = arith.constant 1 : index
    %get3A_5 = vector.load %arg1[%get3A_3, %get3A_4] : memref<1x2xi32, #tpu.memory_space<vmem>>, vector<1x1xi32>
    %get3A_6 = vector.extract %get3A_5[0, 0] : i32 from vector<1x1xi32>
    %xor3A = arith.xori %get3A_2, %get3A_6 : i32
    %xor3A_7 = arith.constant 466688986 : i32
    %xor3A_8 = arith.xori %xor3A, %xor3A_7 : i32
    %iota3A = tpu.iota {dimensions = array<i32: 0>} : vector<512x128xi32>
    %iota3A_9 = tpu.iota {dimensions = array<i32: 1>} : vector<512x128xi32>
    %mul3A = arith.constant 512 : i32
    %mul3A_10 = arith.muli %arg0, %mul3A : i32
    %add3A = vector.broadcast %mul3A_10 : i32 to vector<512x128xi32>
    %add3A_11 = arith.addi %iota3A, %add3A : vector<512x128xi32>
    %mul3A_12 = arith.constant 128 : i32
    %mul3A_13 = vector.broadcast %mul3A_12 : i32 to vector<512x128xi32>
    %mul3A_14 = arith.muli %add3A_11, %mul3A_13 : vector<512x128xi32>
    %add3A_15 = arith.addi %mul3A_14, %iota3A_9 : vector<512x128xi32>
    %broadcast_in_dim3A = arith.constant 0 : i32
    %broadcast_in_dim3A_16 = vector.broadcast %broadcast_in_dim3A : i32 to vector<512x128xi32>
    %add3A_17 = vector.broadcast %get3A_2 : i32 to vector<512x128xi32>
    %add3A_18 = arith.addi %broadcast_in_dim3A_16, %add3A_17 : vector<512x128xi32>
    %add3A_19 = vector.broadcast %get3A_6 : i32 to vector<512x128xi32>
    %add3A_20 = arith.addi %add3A_15, %add3A_19 : vector<512x128xi32>
    %add3A_21 = arith.addi %add3A_18, %add3A_20 : vector<512x128xi32>
    %shift_left3A = arith.constant 13 : i32
    %shift_left3A_22 = vector.broadcast %shift_left3A : i32 to vector<512x128xi32>
    %shift_left3A_23 = arith.shli %add3A_20, %shift_left3A_22 : vector<512x128xi32>
    %shift_right_logical3A = arith.constant 19 : i32
    %shift_right_logical3A_24 = vector.broadcast %shift_right_logical3A : i32 to vector<512x128xi32>
    %shift_right_logical3A_25 = arith.shrui %add3A_20, %shift_right_logical3A_24 : vector<512x128xi32>
    %or3A = arith.ori %shift_left3A_23, %shift_right_logical3A_25 : vector<512x128xi32>
    %xor3A_26 = arith.xori %or3A, %add3A_21 : vector<512x128xi32>
    %add3A_27 = arith.addi %add3A_21, %xor3A_26 : vector<512x128xi32>
    %shift_left3A_28 = arith.constant 15 : i32
    %shift_left3A_29 = vector.broadcast %shift_left3A_28 : i32 to vector<512x128xi32>
    %shift_left3A_30 = arith.shli %xor3A_26, %shift_left3A_29 : vector<512x128xi32>
    %shift_right_logical3A_31 = arith.constant 17 : i32
    %shift_right_logical3A_32 = vector.broadcast %shift_right_logical3A_31 : i32 to vector<512x128xi32>
    %shift_right_logical3A_33 = arith.shrui %xor3A_26, %shift_right_logical3A_32 : vector<512x128xi32>
    %or3A_34 = arith.ori %shift_left3A_30, %shift_right_logical3A_33 : vector<512x128xi32>
    %xor3A_35 = arith.xori %or3A_34, %add3A_27 : vector<512x128xi32>
    %add3A_36 = arith.addi %add3A_27, %xor3A_35 : vector<512x128xi32>
    %shift_left3A_37 = arith.constant 26 : i32
    %shift_left3A_38 = vector.broadcast %shift_left3A_37 : i32 to vector<512x128xi32>
    %shift_left3A_39 = arith.shli %xor3A_35, %shift_left3A_38 : vector<512x128xi32>
    %shift_right_logical3A_40 = arith.constant 6 : i32
    %shift_right_logical3A_41 = vector.broadcast %shift_right_logical3A_40 : i32 to vector<512x128xi32>
    %shift_right_logical3A_42 = arith.shrui %xor3A_35, %shift_right_logical3A_41 : vector<512x128xi32>
    %or3A_43 = arith.ori %shift_left3A_39, %shift_right_logical3A_42 : vector<512x128xi32>
    %xor3A_44 = arith.xori %or3A_43, %add3A_36 : vector<512x128xi32>
    %add3A_45 = arith.addi %add3A_36, %xor3A_44 : vector<512x128xi32>
    %shift_left3A_46 = arith.constant 6 : i32
    %shift_left3A_47 = vector.broadcast %shift_left3A_46 : i32 to vector<512x128xi32>
    %shift_left3A_48 = arith.shli %xor3A_44, %shift_left3A_47 : vector<512x128xi32>
    %shift_right_logical3A_49 = arith.constant 26 : i32
    %shift_right_logical3A_50 = vector.broadcast %shift_right_logical3A_49 : i32 to vector<512x128xi32>
    %shift_right_logical3A_51 = arith.shrui %xor3A_44, %shift_right_logical3A_50 : vector<512x128xi32>
    %or3A_52 = arith.ori %shift_left3A_48, %shift_right_logical3A_51 : vector<512x128xi32>
    %xor3A_53 = arith.xori %or3A_52, %add3A_45 : vector<512x128xi32>
    %add3A_54 = vector.broadcast %get3A_6 : i32 to vector<512x128xi32>
    %add3A_55 = arith.addi %add3A_45, %add3A_54 : vector<512x128xi32>
    %add3A_56 = vector.broadcast %xor3A_8 : i32 to vector<512x128xi32>
    %add3A_57 = arith.addi %xor3A_53, %add3A_56 : vector<512x128xi32>
    %add3A_58 = arith.constant 1 : i32
    %add3A_59 = vector.broadcast %add3A_58 : i32 to vector<512x128xi32>
    %add3A_60 = arith.addi %add3A_57, %add3A_59 : vector<512x128xi32>
    %add3A_61 = arith.addi %add3A_55, %add3A_60 : vector<512x128xi32>
    %shift_left3A_62 = arith.constant 17 : i32
    %shift_left3A_63 = vector.broadcast %shift_left3A_62 : i32 to vector<512x128xi32>
    %shift_left3A_64 = arith.shli %add3A_60, %shift_left3A_63 : vector<512x128xi32>
    %shift_right_logical3A_65 = arith.constant 15 : i32
    %shift_right_logical3A_66 = vector.broadcast %shift_right_logical3A_65 : i32 to vector<512x128xi32>
    %shift_right_logical3A_67 = arith.shrui %add3A_60, %shift_right_logical3A_66 : vector<512x128xi32>
    %or3A_68 = arith.ori %shift_left3A_64, %shift_right_logical3A_67 : vector<512x128xi32>
    %xor3A_69 = arith.xori %or3A_68, %add3A_61 : vector<512x128xi32>
    %add3A_70 = arith.addi %add3A_61, %xor3A_69 : vector<512x128xi32>
    %shift_left3A_71 = arith.constant 29 : i32
    %shift_left3A_72 = vector.broadcast %shift_left3A_71 : i32 to vector<512x128xi32>
    %shift_left3A_73 = arith.shli %xor3A_69, %shift_left3A_72 : vector<512x128xi32>
    %shift_right_logical3A_74 = arith.constant 3 : i32
    %shift_right_logical3A_75 = vector.broadcast %shift_right_logical3A_74 : i32 to vector<512x128xi32>
    %shift_right_logical3A_76 = arith.shrui %xor3A_69, %shift_right_logical3A_75 : vector<512x128xi32>
    %or3A_77 = arith.ori %shift_left3A_73, %shift_right_logical3A_76 : vector<512x128xi32>
    %xor3A_78 = arith.xori %or3A_77, %add3A_70 : vector<512x128xi32>
    %add3A_79 = arith.addi %add3A_70, %xor3A_78 : vector<512x128xi32>
    %shift_left3A_80 = arith.constant 16 : i32
    %shift_left3A_81 = vector.broadcast %shift_left3A_80 : i32 to vector<512x128xi32>
    %shift_left3A_82 = arith.shli %xor3A_78, %shift_left3A_81 : vector<512x128xi32>
    %shift_right_logical3A_83 = arith.constant 16 : i32
    %shift_right_logical3A_84 = vector.broadcast %shift_right_logical3A_83 : i32 to vector<512x128xi32>
    %shift_right_logical3A_85 = arith.shrui %xor3A_78, %shift_right_logical3A_84 : vector<512x128xi32>
    %or3A_86 = arith.ori %shift_left3A_82, %shift_right_logical3A_85 : vector<512x128xi32>
    %xor3A_87 = arith.xori %or3A_86, %add3A_79 : vector<512x128xi32>
    %add3A_88 = arith.addi %add3A_79, %xor3A_87 : vector<512x128xi32>
    %shift_left3A_89 = arith.constant 24 : i32
    %shift_left3A_90 = vector.broadcast %shift_left3A_89 : i32 to vector<512x128xi32>
    %shift_left3A_91 = arith.shli %xor3A_87, %shift_left3A_90 : vector<512x128xi32>
    %shift_right_logical3A_92 = arith.constant 8 : i32
    %shift_right_logical3A_93 = vector.broadcast %shift_right_logical3A_92 : i32 to vector<512x128xi32>
    %shift_right_logical3A_94 = arith.shrui %xor3A_87, %shift_right_logical3A_93 : vector<512x128xi32>
    %or3A_95 = arith.ori %shift_left3A_91, %shift_right_logical3A_94 : vector<512x128xi32>
    %xor3A_96 = arith.xori %or3A_95, %add3A_88 : vector<512x128xi32>
    %add3A_97 = vector.broadcast %xor3A_8 : i32 to vector<512x128xi32>
    %add3A_98 = arith.addi %add3A_88, %add3A_97 : vector<512x128xi32>
    %add3A_99 = vector.broadcast %get3A_2 : i32 to vector<512x128xi32>
    %add3A_100 = arith.addi %xor3A_96, %add3A_99 : vector<512x128xi32>
    %add3A_101 = arith.constant 2 : i32
    %add3A_102 = vector.broadcast %add3A_101 : i32 to vector<512x128xi32>
    %add3A_103 = arith.addi %add3A_100, %add3A_102 : vector<512x128xi32>
    %add3A_104 = arith.addi %add3A_98, %add3A_103 : vector<512x128xi32>
    %shift_left3A_105 = arith.constant 13 : i32
    %shift_left3A_106 = vector.broadcast %shift_left3A_105 : i32 to vector<512x128xi32>
    %shift_left3A_107 = arith.shli %add3A_103, %shift_left3A_106 : vector<512x128xi32>
    %shift_right_logical3A_108 = arith.constant 19 : i32
    %shift_right_logical3A_109 = vector.broadcast %shift_right_logical3A_108 : i32 to vector<512x128xi32>
    %shift_right_logical3A_110 = arith.shrui %add3A_103, %shift_right_logical3A_109 : vector<512x128xi32>
    %or3A_111 = arith.ori %shift_left3A_107, %shift_right_logical3A_110 : vector<512x128xi32>
    %xor3A_112 = arith.xori %or3A_111, %add3A_104 : vector<512x128xi32>
    %add3A_113 = arith.addi %add3A_104, %xor3A_112 : vector<512x128xi32>
    %shift_left3A_114 = arith.constant 15 : i32
    %shift_left3A_115 = vector.broadcast %shift_left3A_114 : i32 to vector<512x128xi32>
    %shift_left3A_116 = arith.shli %xor3A_112, %shift_left3A_115 : vector<512x128xi32>
    %shift_right_logical3A_117 = arith.constant 17 : i32
    %shift_right_logical3A_118 = vector.broadcast %shift_right_logical3A_117 : i32 to vector<512x128xi32>
    %shift_right_logical3A_119 = arith.shrui %xor3A_112, %shift_right_logical3A_118 : vector<512x128xi32>
    %or3A_120 = arith.ori %shift_left3A_116, %shift_right_logical3A_119 : vector<512x128xi32>
    %xor3A_121 = arith.xori %or3A_120, %add3A_113 : vector<512x128xi32>
    %add3A_122 = arith.addi %add3A_113, %xor3A_121 : vector<512x128xi32>
    %shift_left3A_123 = arith.constant 26 : i32
    %shift_left3A_124 = vector.broadcast %shift_left3A_123 : i32 to vector<512x128xi32>
    %shift_left3A_125 = arith.shli %xor3A_121, %shift_left3A_124 : vector<512x128xi32>
    %shift_right_logical3A_126 = arith.constant 6 : i32
    %shift_right_logical3A_127 = vector.broadcast %shift_right_logical3A_126 : i32 to vector<512x128xi32>
    %shift_right_logical3A_128 = arith.shrui %xor3A_121, %shift_right_logical3A_127 : vector<512x128xi32>
    %or3A_129 = arith.ori %shift_left3A_125, %shift_right_logical3A_128 : vector<512x128xi32>
    %xor3A_130 = arith.xori %or3A_129, %add3A_122 : vector<512x128xi32>
    %add3A_131 = arith.addi %add3A_122, %xor3A_130 : vector<512x128xi32>
    %shift_left3A_132 = arith.constant 6 : i32
    %shift_left3A_133 = vector.broadcast %shift_left3A_132 : i32 to vector<512x128xi32>
    %shift_left3A_134 = arith.shli %xor3A_130, %shift_left3A_133 : vector<512x128xi32>
    %shift_right_logical3A_135 = arith.constant 26 : i32
    %shift_right_logical3A_136 = vector.broadcast %shift_right_logical3A_135 : i32 to vector<512x128xi32>
    %shift_right_logical3A_137 = arith.shrui %xor3A_130, %shift_right_logical3A_136 : vector<512x128xi32>
    %or3A_138 = arith.ori %shift_left3A_134, %shift_right_logical3A_137 : vector<512x128xi32>
    %xor3A_139 = arith.xori %or3A_138, %add3A_131 : vector<512x128xi32>
    %add3A_140 = vector.broadcast %get3A_2 : i32 to vector<512x128xi32>
    %add3A_141 = arith.addi %add3A_131, %add3A_140 : vector<512x128xi32>
    %add3A_142 = vector.broadcast %get3A_6 : i32 to vector<512x128xi32>
    %add3A_143 = arith.addi %xor3A_139, %add3A_142 : vector<512x128xi32>
    %add3A_144 = arith.constant 3 : i32
    %add3A_145 = vector.broadcast %add3A_144 : i32 to vector<512x128xi32>
    %add3A_146 = arith.addi %add3A_143, %add3A_145 : vector<512x128xi32>
    %add3A_147 = arith.addi %add3A_141, %add3A_146 : vector<512x128xi32>
    %shift_left3A_148 = arith.constant 17 : i32
    %shift_left3A_149 = vector.broadcast %shift_left3A_148 : i32 to vector<512x128xi32>
    %shift_left3A_150 = arith.shli %add3A_146, %shift_left3A_149 : vector<512x128xi32>
    %shift_right_logical3A_151 = arith.constant 15 : i32
    %shift_right_logical3A_152 = vector.broadcast %shift_right_logical3A_151 : i32 to vector<512x128xi32>
    %shift_right_logical3A_153 = arith.shrui %add3A_146, %shift_right_logical3A_152 : vector<512x128xi32>
    %or3A_154 = arith.ori %shift_left3A_150, %shift_right_logical3A_153 : vector<512x128xi32>
    %xor3A_155 = arith.xori %or3A_154, %add3A_147 : vector<512x128xi32>
    %add3A_156 = arith.addi %add3A_147, %xor3A_155 : vector<512x128xi32>
    %shift_left3A_157 = arith.constant 29 : i32
    %shift_left3A_158 = vector.broadcast %shift_left3A_157 : i32 to vector<512x128xi32>
    %shift_left3A_159 = arith.shli %xor3A_155, %shift_left3A_158 : vector<512x128xi32>
    %shift_right_logical3A_160 = arith.constant 3 : i32
    %shift_right_logical3A_161 = vector.broadcast %shift_right_logical3A_160 : i32 to vector<512x128xi32>
    %shift_right_logical3A_162 = arith.shrui %xor3A_155, %shift_right_logical3A_161 : vector<512x128xi32>
    %or3A_163 = arith.ori %shift_left3A_159, %shift_right_logical3A_162 : vector<512x128xi32>
    %xor3A_164 = arith.xori %or3A_163, %add3A_156 : vector<512x128xi32>
    %add3A_165 = arith.addi %add3A_156, %xor3A_164 : vector<512x128xi32>
    %shift_left3A_166 = arith.constant 16 : i32
    %shift_left3A_167 = vector.broadcast %shift_left3A_166 : i32 to vector<512x128xi32>
    %shift_left3A_168 = arith.shli %xor3A_164, %shift_left3A_167 : vector<512x128xi32>
    %shift_right_logical3A_169 = arith.constant 16 : i32
    %shift_right_logical3A_170 = vector.broadcast %shift_right_logical3A_169 : i32 to vector<512x128xi32>
    %shift_right_logical3A_171 = arith.shrui %xor3A_164, %shift_right_logical3A_170 : vector<512x128xi32>
    %or3A_172 = arith.ori %shift_left3A_168, %shift_right_logical3A_171 : vector<512x128xi32>
    %xor3A_173 = arith.xori %or3A_172, %add3A_165 : vector<512x128xi32>
    %add3A_174 = arith.addi %add3A_165, %xor3A_173 : vector<512x128xi32>
    %shift_left3A_175 = arith.constant 24 : i32
    %shift_left3A_176 = vector.broadcast %shift_left3A_175 : i32 to vector<512x128xi32>
    %shift_left3A_177 = arith.shli %xor3A_173, %shift_left3A_176 : vector<512x128xi32>
    %shift_right_logical3A_178 = arith.constant 8 : i32
    %shift_right_logical3A_179 = vector.broadcast %shift_right_logical3A_178 : i32 to vector<512x128xi32>
    %shift_right_logical3A_180 = arith.shrui %xor3A_173, %shift_right_logical3A_179 : vector<512x128xi32>
    %or3A_181 = arith.ori %shift_left3A_177, %shift_right_logical3A_180 : vector<512x128xi32>
    %xor3A_182 = arith.xori %or3A_181, %add3A_174 : vector<512x128xi32>
    %add3A_183 = vector.broadcast %get3A_6 : i32 to vector<512x128xi32>
    %add3A_184 = arith.addi %add3A_174, %add3A_183 : vector<512x128xi32>
    %add3A_185 = vector.broadcast %xor3A_8 : i32 to vector<512x128xi32>
    %add3A_186 = arith.addi %xor3A_182, %add3A_185 : vector<512x128xi32>
    %add3A_187 = arith.constant 4 : i32
    %add3A_188 = vector.broadcast %add3A_187 : i32 to vector<512x128xi32>
    %add3A_189 = arith.addi %add3A_186, %add3A_188 : vector<512x128xi32>
    %add3A_190 = arith.addi %add3A_184, %add3A_189 : vector<512x128xi32>
    %shift_left3A_191 = arith.constant 13 : i32
    %shift_left3A_192 = vector.broadcast %shift_left3A_191 : i32 to vector<512x128xi32>
    %shift_left3A_193 = arith.shli %add3A_189, %shift_left3A_192 : vector<512x128xi32>
    %shift_right_logical3A_194 = arith.constant 19 : i32
    %shift_right_logical3A_195 = vector.broadcast %shift_right_logical3A_194 : i32 to vector<512x128xi32>
    %shift_right_logical3A_196 = arith.shrui %add3A_189, %shift_right_logical3A_195 : vector<512x128xi32>
    %or3A_197 = arith.ori %shift_left3A_193, %shift_right_logical3A_196 : vector<512x128xi32>
    %xor3A_198 = arith.xori %or3A_197, %add3A_190 : vector<512x128xi32>
    %add3A_199 = arith.addi %add3A_190, %xor3A_198 : vector<512x128xi32>
    %shift_left3A_200 = arith.constant 15 : i32
    %shift_left3A_201 = vector.broadcast %shift_left3A_200 : i32 to vector<512x128xi32>
    %shift_left3A_202 = arith.shli %xor3A_198, %shift_left3A_201 : vector<512x128xi32>
    %shift_right_logical3A_203 = arith.constant 17 : i32
    %shift_right_logical3A_204 = vector.broadcast %shift_right_logical3A_203 : i32 to vector<512x128xi32>
    %shift_right_logical3A_205 = arith.shrui %xor3A_198, %shift_right_logical3A_204 : vector<512x128xi32>
    %or3A_206 = arith.ori %shift_left3A_202, %shift_right_logical3A_205 : vector<512x128xi32>
    %xor3A_207 = arith.xori %or3A_206, %add3A_199 : vector<512x128xi32>
    %add3A_208 = arith.addi %add3A_199, %xor3A_207 : vector<512x128xi32>
    %shift_left3A_209 = arith.constant 26 : i32
    %shift_left3A_210 = vector.broadcast %shift_left3A_209 : i32 to vector<512x128xi32>
    %shift_left3A_211 = arith.shli %xor3A_207, %shift_left3A_210 : vector<512x128xi32>
    %shift_right_logical3A_212 = arith.constant 6 : i32
    %shift_right_logical3A_213 = vector.broadcast %shift_right_logical3A_212 : i32 to vector<512x128xi32>
    %shift_right_logical3A_214 = arith.shrui %xor3A_207, %shift_right_logical3A_213 : vector<512x128xi32>
    %or3A_215 = arith.ori %shift_left3A_211, %shift_right_logical3A_214 : vector<512x128xi32>
    %xor3A_216 = arith.xori %or3A_215, %add3A_208 : vector<512x128xi32>
    %add3A_217 = arith.addi %add3A_208, %xor3A_216 : vector<512x128xi32>
    %shift_left3A_218 = arith.constant 6 : i32
    %shift_left3A_219 = vector.broadcast %shift_left3A_218 : i32 to vector<512x128xi32>
    %shift_left3A_220 = arith.shli %xor3A_216, %shift_left3A_219 : vector<512x128xi32>
    %shift_right_logical3A_221 = arith.constant 26 : i32
    %shift_right_logical3A_222 = vector.broadcast %shift_right_logical3A_221 : i32 to vector<512x128xi32>
    %shift_right_logical3A_223 = arith.shrui %xor3A_216, %shift_right_logical3A_222 : vector<512x128xi32>
    %or3A_224 = arith.ori %shift_left3A_220, %shift_right_logical3A_223 : vector<512x128xi32>
    %xor3A_225 = arith.xori %or3A_224, %add3A_217 : vector<512x128xi32>
    %add3A_226 = vector.broadcast %xor3A_8 : i32 to vector<512x128xi32>
    %add3A_227 = arith.addi %add3A_217, %add3A_226 : vector<512x128xi32>
    %add3A_228 = vector.broadcast %get3A_2 : i32 to vector<512x128xi32>
    %add3A_229 = arith.addi %xor3A_225, %add3A_228 : vector<512x128xi32>
    %add3A_230 = arith.constant 5 : i32
    %add3A_231 = vector.broadcast %add3A_230 : i32 to vector<512x128xi32>
    %add3A_232 = arith.addi %add3A_229, %add3A_231 : vector<512x128xi32>
    %xor3A_233 = arith.xori %add3A_227, %add3A_232 : vector<512x128xi32>
    %shift_right_logical3A_234 = arith.constant 9 : i32
    %shift_right_logical3A_235 = vector.broadcast %shift_right_logical3A_234 : i32 to vector<512x128xi32>
    %shift_right_logical3A_236 = arith.shrui %xor3A_233, %shift_right_logical3A_235 : vector<512x128xi32>
    %or3A_237 = arith.constant 1065353216 : i32
    %or3A_238 = vector.broadcast %or3A_237 : i32 to vector<512x128xi32>
    %or3A_239 = arith.ori %shift_right_logical3A_236, %or3A_238 : vector<512x128xi32>
    %bitcast_convert_type3A = tpu.bitcast %or3A_239 : vector<512x128xi32> -> vector<512x128xf32>
    %sub3A = arith.constant 1.000000e+00 : f32
    %sub3A_240 = vector.broadcast %sub3A : f32 to vector<512x128xf32>
    %sub3A_241 = arith.subf %bitcast_convert_type3A, %sub3A_240 : vector<512x128xf32>
    %sub3A_242 = arith.constant 1.000000e+00 : f32
    %sub3A_243 = arith.constant -0.99999994 : f32
    %sub3A_244 = arith.subf %sub3A_242, %sub3A_243 : f32
    %mul3A_245 = vector.broadcast %sub3A_244 : f32 to vector<512x128xf32>
    %mul3A_246 = arith.mulf %sub3A_241, %mul3A_245 : vector<512x128xf32>
    %add3A_247 = arith.constant -0.99999994 : f32
    %add3A_248 = vector.broadcast %add3A_247 : f32 to vector<512x128xf32>
    %add3A_249 = arith.addf %mul3A_246, %add3A_248 : vector<512x128xf32>
    %max3A = arith.constant -0.99999994 : f32
    %max3A_250 = vector.broadcast %max3A : f32 to vector<512x128xf32>
    %max3A_251 = arith.maximumf %max3A_250, %add3A_249 : vector<512x128xf32>
    %sub3A_252 = arith.constant 1.000000e+00 : f32
    %sub3A_253 = vector.broadcast %sub3A_252 : f32 to vector<512x128xf32>
    %sub3A_254 = arith.subf %sub3A_253, %max3A_251 : vector<512x128xf32>
    %add3A_255 = arith.constant 1.000000e+00 : f32
    %add3A_256 = vector.broadcast %add3A_255 : f32 to vector<512x128xf32>
    %add3A_257 = arith.addf %add3A_256, %max3A_251 : vector<512x128xf32>
    %mul3A_258 = arith.mulf %sub3A_254, %add3A_257 : vector<512x128xf32>
    %log3A = math.log %mul3A_258 : vector<512x128xf32>
    %neg3A = arith.constant 0.000000e+00 : f32
    %neg3A_259 = vector.broadcast %neg3A : f32 to vector<512x128xf32>
    %neg3A_260 = arith.subf %neg3A_259, %log3A : vector<512x128xf32>
    %sub3A_261 = arith.constant 2.500000e+00 : f32
    %sub3A_262 = vector.broadcast %sub3A_261 : f32 to vector<512x128xf32>
    %sub3A_263 = arith.subf %neg3A_260, %sub3A_262 : vector<512x128xf32>
    %sqrt3A = math.sqrt %neg3A_260 : vector<512x128xf32>
    %sub3A_264 = arith.constant 3.000000e+00 : f32
    %sub3A_265 = vector.broadcast %sub3A_264 : f32 to vector<512x128xf32>
    %sub3A_266 = arith.subf %sqrt3A, %sub3A_265 : vector<512x128xf32>
    %broadcast_in_dim3A_267 = arith.constant 2.81022636E-8 : f32
    %broadcast_in_dim3A_268 = vector.broadcast %broadcast_in_dim3A_267 : f32 to vector<512x128xf32>
    %broadcast_in_dim3A_269 = arith.constant -2.00214257E-4 : f32
    %broadcast_in_dim3A_270 = vector.broadcast %broadcast_in_dim3A_269 : f32 to vector<512x128xf32>
    %mul3A_271 = arith.mulf %broadcast_in_dim3A_268, %sub3A_263 : vector<512x128xf32>
    %add3A_272 = arith.constant 3.43273939E-7 : f32
    %add3A_273 = vector.broadcast %add3A_272 : f32 to vector<512x128xf32>
    %add3A_274 = arith.addf %mul3A_271, %add3A_273 : vector<512x128xf32>
    %mul3A_275 = arith.mulf %broadcast_in_dim3A_270, %sub3A_266 : vector<512x128xf32>
    %add3A_276 = arith.constant 1.00950558E-4 : f32
    %add3A_277 = vector.broadcast %add3A_276 : f32 to vector<512x128xf32>
    %add3A_278 = arith.addf %mul3A_275, %add3A_277 : vector<512x128xf32>
    %mul3A_279 = arith.mulf %add3A_274, %sub3A_263 : vector<512x128xf32>
    %add3A_280 = arith.constant -3.5233877E-6 : f32
    %add3A_281 = vector.broadcast %add3A_280 : f32 to vector<512x128xf32>
    %add3A_282 = arith.addf %mul3A_279, %add3A_281 : vector<512x128xf32>
    %mul3A_283 = arith.mulf %add3A_278, %sub3A_266 : vector<512x128xf32>
    %add3A_284 = arith.constant 0.00134934322 : f32
    %add3A_285 = vector.broadcast %add3A_284 : f32 to vector<512x128xf32>
    %add3A_286 = arith.addf %mul3A_283, %add3A_285 : vector<512x128xf32>
    %mul3A_287 = arith.mulf %add3A_282, %sub3A_263 : vector<512x128xf32>
    %add3A_288 = arith.constant -4.39150654E-6 : f32
    %add3A_289 = vector.broadcast %add3A_288 : f32 to vector<512x128xf32>
    %add3A_290 = arith.addf %mul3A_287, %add3A_289 : vector<512x128xf32>
    %mul3A_291 = arith.mulf %add3A_286, %sub3A_266 : vector<512x128xf32>
    %add3A_292 = arith.constant -0.00367342844 : f32
    %add3A_293 = vector.broadcast %add3A_292 : f32 to vector<512x128xf32>
    %add3A_294 = arith.addf %mul3A_291, %add3A_293 : vector<512x128xf32>
    %mul3A_295 = arith.mulf %add3A_290, %sub3A_263 : vector<512x128xf32>
    %add3A_296 = arith.constant 2.1858087E-4 : f32
    %add3A_297 = vector.broadcast %add3A_296 : f32 to vector<512x128xf32>
    %add3A_298 = arith.addf %mul3A_295, %add3A_297 : vector<512x128xf32>
    %mul3A_299 = arith.mulf %add3A_294, %sub3A_266 : vector<512x128xf32>
    %add3A_300 = arith.constant 0.00573950773 : f32
    %add3A_301 = vector.broadcast %add3A_300 : f32 to vector<512x128xf32>
    %add3A_302 = arith.addf %mul3A_299, %add3A_301 : vector<512x128xf32>
    %mul3A_303 = arith.mulf %add3A_298, %sub3A_263 : vector<512x128xf32>
    %add3A_304 = arith.constant -0.00125372503 : f32
    %add3A_305 = vector.broadcast %add3A_304 : f32 to vector<512x128xf32>
    %add3A_306 = arith.addf %mul3A_303, %add3A_305 : vector<512x128xf32>
    %mul3A_307 = arith.mulf %add3A_302, %sub3A_266 : vector<512x128xf32>
    %add3A_308 = arith.constant -0.0076224613 : f32
    %add3A_309 = vector.broadcast %add3A_308 : f32 to vector<512x128xf32>
    %add3A_310 = arith.addf %mul3A_307, %add3A_309 : vector<512x128xf32>
    %mul3A_311 = arith.mulf %add3A_306, %sub3A_263 : vector<512x128xf32>
    %add3A_312 = arith.constant -0.00417768164 : f32
    %add3A_313 = vector.broadcast %add3A_312 : f32 to vector<512x128xf32>
    %add3A_314 = arith.addf %mul3A_311, %add3A_313 : vector<512x128xf32>
    %mul3A_315 = arith.mulf %add3A_310, %sub3A_266 : vector<512x128xf32>
    %add3A_316 = arith.constant 0.00943887047 : f32
    %add3A_317 = vector.broadcast %add3A_316 : f32 to vector<512x128xf32>
    %add3A_318 = arith.addf %mul3A_315, %add3A_317 : vector<512x128xf32>
    %mul3A_319 = arith.mulf %add3A_314, %sub3A_263 : vector<512x128xf32>
    %add3A_320 = arith.constant 0.246640727 : f32
    %add3A_321 = vector.broadcast %add3A_320 : f32 to vector<512x128xf32>
    %add3A_322 = arith.addf %mul3A_319, %add3A_321 : vector<512x128xf32>
    %mul3A_323 = arith.mulf %add3A_318, %sub3A_266 : vector<512x128xf32>
    %add3A_324 = arith.constant 1.00167406 : f32
    %add3A_325 = vector.broadcast %add3A_324 : f32 to vector<512x128xf32>
    %add3A_326 = arith.addf %mul3A_323, %add3A_325 : vector<512x128xf32>
    %mul3A_327 = arith.mulf %add3A_322, %sub3A_263 : vector<512x128xf32>
    %add3A_328 = arith.constant 1.50140941 : f32
    %add3A_329 = vector.broadcast %add3A_328 : f32 to vector<512x128xf32>
    %add3A_330 = arith.addf %mul3A_327, %add3A_329 : vector<512x128xf32>
    %mul3A_331 = arith.mulf %add3A_326, %sub3A_266 : vector<512x128xf32>
    %add3A_332 = arith.constant 2.83297682 : f32
    %add3A_333 = vector.broadcast %add3A_332 : f32 to vector<512x128xf32>
    %add3A_334 = arith.addf %mul3A_331, %add3A_333 : vector<512x128xf32>
    %lt3A = arith.constant 5.000000e+00 : f32
    %lt3A_335 = vector.broadcast %lt3A : f32 to vector<512x128xf32>
    %lt3A_336 = arith.cmpf olt, %neg3A_260, %lt3A_335 : vector<512x128xf32>
    %select_n3A = arith.select %lt3A_336, %add3A_330, %add3A_334 : vector<512x128xi1>, vector<512x128xf32>
    %mul3A_337 = arith.mulf %select_n3A, %max3A_251 : vector<512x128xf32>
    %mul3A_338 = arith.constant 1.41421354 : f32
    %mul3A_339 = vector.broadcast %mul3A_338 : f32 to vector<512x128xf32>
    %mul3A_340 = arith.mulf %mul3A_339, %mul3A_337 : vector<512x128xf32>
    %swap3A = arith.constant 0 : index
    %swap3A_341 = arith.constant 0 : index
    %swap3A_342 = vector.load %arg2[%swap3A, %swap3A_341] : memref<512x128xf32, #tpu.memory_space<vmem>>, vector<512x128xf32>
    tpu.vector_store %arg2[%swap3A, %swap3A_341], %mul3A_340 {strides = array<i32>} : memref<512x128xf32, #tpu.memory_space<vmem>>, vector<512x128xf32>,
    return
  }
  func.func @transform_0(%arg0: i32) -> (i32, i32) {
    %c0_i32 = arith.constant 0 : i32
    %c0_i32_0 = arith.constant 0 : i32
    %c0_i32_1 = arith.constant 0 : i32
    return %c0_i32, %c0_i32_0 : i32, i32
  }
  func.func @transform_1(%arg0: i32) -> (i32, i32) {
    %c0_i32 = arith.constant 0 : i32
    %c0_i32_0 = arith.constant 0 : i32
    return %arg0, %c0_i32 : i32, i32
  }
}

module attributes {stable_mosaic.version = 14 : i64} {
  func.func @_tc_math_kernel(%arg0: i32, %arg1: memref<1024x128xf32, #tpu.memory_space<vmem>>, %arg2: memref<1024x128xf32, #tpu.memory_space<vmem>>, %arg3: memref<1024x8xf32, #tpu.memory_space<vmem>>, %arg4: memref<128x128xf32, #tpu.memory_space<vmem>>, %arg5: memref<128x128xf32, #tpu.memory_space<vmem>>, %arg6: memref<128x8xf32, #tpu.memory_space<vmem>>, %arg7: memref<1x128xf32, #tpu.memory_space<vmem>>, %arg8: memref<1x128xf32, #tpu.memory_space<vmem>>, %arg9: memref<1x128xf32, #tpu.memory_space<vmem>>, %arg10: memref<1x1xf32, #tpu.memory_space<vmem>>, %arg11: memref<1024x8xf32, #tpu.memory_space<vmem>>, %arg12: memref<1024x128xf32, #tpu.memory_space<vmem>>, %arg13: memref<1024x8xf32, #tpu.memory_space<vmem>>) attributes {dimension_semantics = [#tpu.dimension_semantics<arbitrary>], iteration_bounds = array<i64: 128>, scalar_prefetch = 0 : i64, scratch_operands = 0 : i64, tpu.core_type = #tpu.core_type<tc>, window_params = [{transform_indices = @transform_0, window_bounds = array<i64: 1024, 128>}, {transform_indices = @transform_1, window_bounds = array<i64: 1024, 128>}, {transform_indices = @transform_2, window_bounds = array<i64: 1024, 8>}, {pipeline_mode = #tpu.pipeline_mode<synchronous>, transform_indices = @transform_3, window_bounds = array<i64: 128, 128>}, {pipeline_mode = #tpu.pipeline_mode<synchronous>, transform_indices = @transform_4, window_bounds = array<i64: 128, 128>}, {pipeline_mode = #tpu.pipeline_mode<synchronous>, transform_indices = @transform_5, window_bounds = array<i64: 128, 8>}, {pipeline_mode = #tpu.pipeline_mode<synchronous>, transform_indices = @transform_6, window_bounds = array<i64: 1, 128>}, {pipeline_mode = #tpu.pipeline_mode<synchronous>, transform_indices = @transform_7, window_bounds = array<i64: 1, 128>}, {pipeline_mode = #tpu.pipeline_mode<synchronous>, transform_indices = @transform_8, window_bounds = array<i64: 1, 128>}, {pipeline_mode = #tpu.pipeline_mode<synchronous>, transform_indices = @transform_9, window_bounds = array<i64: 1, 1>}, {transform_indices = @transform_10, window_bounds = array<i64: 1024, 8>}, {transform_indices = @transform_11, window_bounds = array<i64: 1024, 128>}, {transform_indices = @transform_12, window_bounds = array<i64: 1024, 8>}]} {
    %get3A = arith.constant 0 : index
    %get3A_0 = arith.constant 0 : index
    %get3A_1 = vector.load %arg1[%get3A, %get3A_0] : memref<1024x128xf32, #tpu.memory_space<vmem>>, vector<1024x128xf32>
    %get3A_2 = arith.constant 0 : index
    %get3A_3 = arith.constant 0 : index
    %get3A_4 = vector.load %arg2[%get3A_2, %get3A_3] : memref<1024x128xf32, #tpu.memory_space<vmem>>, vector<1024x128xf32>
    %get3A_5 = arith.constant 0 : index
    %get3A_6 = arith.constant 0 : index
    %get3A_7 = vector.load %arg4[%get3A_5, %get3A_6] : memref<128x128xf32, #tpu.memory_space<vmem>>, vector<128x128xf32>
    %get3A_8 = arith.constant 0 : index
    %get3A_9 = arith.constant 0 : index
    %get3A_10 = vector.load %arg5[%get3A_8, %get3A_9] : memref<128x128xf32, #tpu.memory_space<vmem>>, vector<128x128xf32>
    %get3A_11 = arith.constant 0 : index
    %get3A_12 = arith.constant 0 : index
    %get3A_13 = vector.load %arg6[%get3A_11, %get3A_12] : memref<128x8xf32, #tpu.memory_space<vmem>>, vector<128x8xf32>
    %get3A_14 = arith.constant 0 : index
    %get3A_15 = arith.constant 0 : index
    %get3A_16 = vector.load %arg7[%get3A_14, %get3A_15] : memref<1x128xf32, #tpu.memory_space<vmem>>, vector<1x128xf32>
    %get3A_17 = arith.constant 0 : index
    %get3A_18 = arith.constant 0 : index
    %get3A_19 = vector.load %arg8[%get3A_17, %get3A_18] : memref<1x128xf32, #tpu.memory_space<vmem>>, vector<1x128xf32>
    %get3A_20 = arith.constant 0 : index
    %get3A_21 = arith.constant 0 : index
    %get3A_22 = vector.load %arg9[%get3A_20, %get3A_21] : memref<1x128xf32, #tpu.memory_space<vmem>>, vector<1x128xf32>
    %get3A_23 = arith.constant 0 : index
    %get3A_24 = arith.constant 0 : index
    %get3A_25 = vector.load %arg10[%get3A_23, %get3A_24] : memref<1x1xf32, #tpu.memory_space<vmem>>, vector<1x1xf32>
    %get3A_26 = vector.extract %get3A_25[0, 0] : f32 from vector<1x1xf32>
    %dot_general3A = arith.constant dense<0.000000e+00> : vector<1024x128xf32>
    %dot_general3A_27 = tpu.matmul %get3A_1, %get3A_7, %dot_general3A {dimension_numbers = #tpu.dot_dimension_numbers<[1], [0], [0], [1], [0, 0, 1, 1], [], []>, transpose_lhs_hint = false} : vector<1024x128xf32>, vector<128x128xf32>, vector<1024x128xf32> -> vector<1024x128xf32>
    %add3A = arith.constant 0.0953101813 : f32
    %add3A_28 = vector.broadcast %add3A : f32 to vector<1x128xf32>
    %add3A_29 = arith.addf %get3A_19, %add3A_28 : vector<1x128xf32>
    %exp3A = math.exp %add3A_29 : vector<1x128xf32>
    %mul3A = vector.broadcast %exp3A : vector<1x128xf32> to vector<1024x128xf32>
    %mul3A_30 = arith.mulf %get3A_4, %mul3A : vector<1024x128xf32>
    %add3A_31 = arith.addf %dot_general3A_27, %mul3A_30 : vector<1024x128xf32>
    %sub3A = arith.subf %add3A_31, %dot_general3A_27 : vector<1024x128xf32>
    %neg3A = arith.constant 0.000000e+00 : f32
    %neg3A_32 = vector.broadcast %neg3A : f32 to vector<1x128xf32>
    %neg3A_33 = arith.subf %neg3A_32, %get3A_19 : vector<1x128xf32>
    %exp3A_34 = math.exp %neg3A_33 : vector<1x128xf32>
    %neg3A_35 = arith.constant 0.000000e+00 : f32
    %neg3A_36 = vector.broadcast %neg3A_35 : f32 to vector<1x128xf32>
    %neg3A_37 = arith.subf %neg3A_36, %add3A_29 : vector<1x128xf32>
    %exp3A_38 = math.exp %neg3A_37 : vector<1x128xf32>
    %mul3A_39 = vector.broadcast %exp3A_34 : vector<1x128xf32> to vector<1024x128xf32>
    %mul3A_40 = arith.mulf %sub3A, %mul3A_39 : vector<1024x128xf32>
    %integer_pow3A = arith.mulf %mul3A_40, %mul3A_40 : vector<1024x128xf32>
    %mul3A_41 = arith.constant -5.000000e-01 : f32
    %mul3A_42 = vector.broadcast %mul3A_41 : f32 to vector<1024x128xf32>
    %mul3A_43 = arith.mulf %mul3A_42, %integer_pow3A : vector<1024x128xf32>
    %sub3A_44 = vector.broadcast %get3A_19 : vector<1x128xf32> to vector<1024x128xf32>
    %sub3A_45 = arith.subf %mul3A_43, %sub3A_44 : vector<1024x128xf32>
    %mul3A_46 = vector.broadcast %exp3A_38 : vector<1x128xf32> to vector<1024x128xf32>
    %mul3A_47 = arith.mulf %sub3A, %mul3A_46 : vector<1024x128xf32>
    %integer_pow3A_48 = arith.mulf %mul3A_47, %mul3A_47 : vector<1024x128xf32>
    %mul3A_49 = arith.constant -5.000000e-01 : f32
    %mul3A_50 = vector.broadcast %mul3A_49 : f32 to vector<1024x128xf32>
    %mul3A_51 = arith.mulf %mul3A_50, %integer_pow3A_48 : vector<1024x128xf32>
    %sub3A_52 = vector.broadcast %add3A_29 : vector<1x128xf32> to vector<1024x128xf32>
    %sub3A_53 = arith.subf %mul3A_51, %sub3A_52 : vector<1024x128xf32>
    %sub3A_54 = arith.subf %sub3A_45, %sub3A_53 : vector<1024x128xf32>
    %dot_general3A_55 = arith.constant dense<0.000000e+00> : vector<1024x128xf32>
    %dot_general3A_56 = tpu.matmul %add3A_31, %get3A_10, %dot_general3A_55 {dimension_numbers = #tpu.dot_dimension_numbers<[1], [0], [0], [1], [0, 0, 1, 1], [], []>, transpose_lhs_hint = false} : vector<1024x128xf32>, vector<128x128xf32>, vector<1024x128xf32> -> vector<1024x128xf32>
    %sub3A_57 = vector.broadcast %get3A_16 : vector<1x128xf32> to vector<1024x128xf32>
    %sub3A_58 = arith.subf %sub3A_57, %dot_general3A_56 : vector<1024x128xf32>
    %neg3A_59 = arith.constant 0.000000e+00 : f32
    %neg3A_60 = vector.broadcast %neg3A_59 : f32 to vector<1x128xf32>
    %neg3A_61 = arith.subf %neg3A_60, %get3A_22 : vector<1x128xf32>
    %exp3A_62 = math.exp %neg3A_61 : vector<1x128xf32>
    %mul3A_63 = vector.broadcast %exp3A_62 : vector<1x128xf32> to vector<1024x128xf32>
    %mul3A_64 = arith.mulf %sub3A_58, %mul3A_63 : vector<1024x128xf32>
    %mul3A_65 = arith.constant -5.000000e-01 : f32
    %mul3A_66 = vector.broadcast %mul3A_65 : f32 to vector<1024x128xf32>
    %mul3A_67 = arith.mulf %mul3A_66, %mul3A_64 : vector<1024x128xf32>
    %mul3A_68 = arith.mulf %mul3A_67, %mul3A_64 : vector<1024x128xf32>
    %sub3A_69 = vector.broadcast %get3A_22 : vector<1x128xf32> to vector<1024x128xf32>
    %sub3A_70 = arith.subf %mul3A_68, %sub3A_69 : vector<1024x128xf32>
    %sub3A_71 = arith.constant 0.918938517 : f32
    %sub3A_72 = vector.broadcast %sub3A_71 : f32 to vector<1024x128xf32>
    %sub3A_73 = arith.subf %sub3A_70, %sub3A_72 : vector<1024x128xf32>
    %add3A_74 = arith.addf %sub3A_54, %sub3A_73 : vector<1024x128xf32>
    %dot_general3A_75 = arith.constant dense<0.000000e+00> : vector<1024x8xf32>
    %dot_general3A_76 = tpu.matmul %add3A_74, %get3A_13, %dot_general3A_75 {dimension_numbers = #tpu.dot_dimension_numbers<[1], [0], [0], [1], [0, 0, 1, 1], [], []>, transpose_lhs_hint = false} : vector<1024x128xf32>, vector<128x8xf32>, vector<1024x8xf32> -> vector<1024x8xf32>
    %mul3A_77 = arith.constant -13.8629436 : f32
    %mul3A_78 = arith.mulf %get3A_26, %mul3A_77 : f32
    %sub3A_79 = arith.constant 1.000000e+00 : f32
    %sub3A_80 = arith.subf %sub3A_79, %get3A_26 : f32
    %get3A_81 = arith.constant 0 : index
    %get3A_82 = arith.constant 0 : index
    %get3A_83 = vector.load %arg3[%get3A_81, %get3A_82] : memref<1024x8xf32, #tpu.memory_space<vmem>>, vector<1024x8xf32>
    %mul3A_84 = vector.broadcast %sub3A_80 : f32 to vector<1024x8xf32>
    %mul3A_85 = arith.mulf %mul3A_84, %get3A_83 : vector<1024x8xf32>
    %add3A_86 = vector.broadcast %mul3A_78 : f32 to vector<1024x8xf32>
    %add3A_87 = arith.addf %add3A_86, %mul3A_85 : vector<1024x8xf32>
    %add3A_88 = arith.addf %add3A_87, %dot_general3A_76 : vector<1024x8xf32>
    %swap3A = arith.constant 0 : index
    %swap3A_89 = arith.constant 0 : index
    %swap3A_90 = vector.load %arg11[%swap3A, %swap3A_89] : memref<1024x8xf32, #tpu.memory_space<vmem>>, vector<1024x8xf32>
    tpu.vector_store %arg11[%swap3A, %swap3A_89], %add3A_88 {strides = array<i32>} : memref<1024x8xf32, #tpu.memory_space<vmem>>, vector<1024x8xf32>,
    %swap3A_91 = arith.constant 0 : index
    %swap3A_92 = arith.constant 0 : index
    %swap3A_93 = vector.load %arg13[%swap3A_91, %swap3A_92] : memref<1024x8xf32, #tpu.memory_space<vmem>>, vector<1024x8xf32>
    tpu.vector_store %arg13[%swap3A_91, %swap3A_92], %dot_general3A_76 {strides = array<i32>} : memref<1024x8xf32, #tpu.memory_space<vmem>>, vector<1024x8xf32>,
    %swap3A_94 = arith.constant 0 : index
    %swap3A_95 = arith.constant 0 : index
    %swap3A_96 = vector.load %arg12[%swap3A_94, %swap3A_95] : memref<1024x128xf32, #tpu.memory_space<vmem>>, vector<1024x128xf32>
    tpu.vector_store %arg12[%swap3A_94, %swap3A_95], %add3A_31 {strides = array<i32>} : memref<1024x128xf32, #tpu.memory_space<vmem>>, vector<1024x128xf32>,
    return
  }
  func.func @transform_0(%arg0: i32) -> (i32, i32) {
    %c0_i32 = arith.constant 0 : i32
    %c0_i32_0 = arith.constant 0 : i32
    return %arg0, %c0_i32 : i32, i32
  }
  func.func @transform_1(%arg0: i32) -> (i32, i32) {
    %c0_i32 = arith.constant 0 : i32
    %c0_i32_0 = arith.constant 0 : i32
    return %arg0, %c0_i32 : i32, i32
  }
  func.func @transform_2(%arg0: i32) -> (i32, i32) {
    %c0_i32 = arith.constant 0 : i32
    %c0_i32_0 = arith.constant 0 : i32
    return %arg0, %c0_i32 : i32, i32
  }
  func.func @transform_3(%arg0: i32) -> (i32, i32) {
    %c0_i32 = arith.constant 0 : i32
    %c0_i32_0 = arith.constant 0 : i32
    %c0_i32_1 = arith.constant 0 : i32
    return %c0_i32, %c0_i32_0 : i32, i32
  }
  func.func @transform_4(%arg0: i32) -> (i32, i32) {
    %c0_i32 = arith.constant 0 : i32
    %c0_i32_0 = arith.constant 0 : i32
    %c0_i32_1 = arith.constant 0 : i32
    return %c0_i32, %c0_i32_0 : i32, i32
  }
  func.func @transform_5(%arg0: i32) -> (i32, i32) {
    %c0_i32 = arith.constant 0 : i32
    %c0_i32_0 = arith.constant 0 : i32
    %c0_i32_1 = arith.constant 0 : i32
    return %c0_i32, %c0_i32_0 : i32, i32
  }
  func.func @transform_6(%arg0: i32) -> (i32, i32) {
    %c0_i32 = arith.constant 0 : i32
    %c0_i32_0 = arith.constant 0 : i32
    %c0_i32_1 = arith.constant 0 : i32
    return %c0_i32, %c0_i32_0 : i32, i32
  }
  func.func @transform_7(%arg0: i32) -> (i32, i32) {
    %c0_i32 = arith.constant 0 : i32
    %c0_i32_0 = arith.constant 0 : i32
    %c0_i32_1 = arith.constant 0 : i32
    return %c0_i32, %c0_i32_0 : i32, i32
  }
  func.func @transform_8(%arg0: i32) -> (i32, i32) {
    %c0_i32 = arith.constant 0 : i32
    %c0_i32_0 = arith.constant 0 : i32
    %c0_i32_1 = arith.constant 0 : i32
    return %c0_i32, %c0_i32_0 : i32, i32
  }
  func.func @transform_9(%arg0: i32) -> (i32, i32) {
    %c0_i32 = arith.constant 0 : i32
    %c0_i32_0 = arith.constant 0 : i32
    %c0_i32_1 = arith.constant 0 : i32
    return %c0_i32, %c0_i32_0 : i32, i32
  }
  func.func @transform_10(%arg0: i32) -> (i32, i32) {
    %c0_i32 = arith.constant 0 : i32
    %c0_i32_0 = arith.constant 0 : i32
    return %arg0, %c0_i32 : i32, i32
  }
  func.func @transform_11(%arg0: i32) -> (i32, i32) {
    %c0_i32 = arith.constant 0 : i32
    %c0_i32_0 = arith.constant 0 : i32
    return %arg0, %c0_i32 : i32, i32
  }
  func.func @transform_12(%arg0: i32) -> (i32, i32) {
    %c0_i32 = arith.constant 0 : i32
    %c0_i32_0 = arith.constant 0 : i32
    return %arg0, %c0_i32 : i32, i32
  }
}

</mosaic_0001>

<sc_bundles>
// kernel: kernel.7.cloned.1.call-start
scs
__scs_entry_jumppad:
0x0: {  	(pc) =	sbr.rel $0x88, $3  }
0x1: {  	(tag) =	ssettag $0x0;
	lr =	simm.s32 $0x1  }
0x2: {  	[smem:$0x3F9A] =	sst lr;
	_ =	strace $0xD0000000  }
0x3: {  	_ = 	snop  }
0x4: {  	_ = 	snop  }
0x5: {  	_ = 	snop  }
0x6: {  	_ = 	snop  }
0x7: {  	_ = 	snop  }
__scs_overlays_trampoline_lowered:
0x8: {  	[smem:$0x3FA9] =	sst s0  }
0x9: {  	[smem:$0x3FAA] =	sst s1  }
0xa: {  	[smem:$0x3FAB] =	sst s2  }
0xb: {  	[smem:$0x3FAC] =	sst s3  }
0xc: {  	[smem:$0x3FAD] =	sst s4  }
0xd: {  	[smem:$0x3FAE] =	sst s5  }
0xe: {  	[smem:$0x3FAF] =	sst s6  }
0xf: {  	[smem:$0x3FB0] =	sst s7  }
0x10: {  	[smem:$0x3FB1] =	sst s8  }
0x11: {  	[smem:$0x3FB2] =	sst s9;
	s0 =	simm.s32 @!p0 $0x0  }
0x12: {  	s1 =	sld [smem:$0x3F98];
	s0 =	simm.s32 @p0 $0x1  }
0x13: {  	[smem:$0x3FB3] =	sst s0;
	s0 =	simm.s32 @!p1 $0x0  }
0x14: {  	s2 =	sld [smem:$0x3F97];
	s0 =	simm.s32 @p1 $0x1  }
0x15: {  	[smem:$0x3FB4] =	sst s0;
	s0 =	simm.s32 @!p2 $0x0  }
0x16: {  	s3 =	sld [smem:$0x3FDB];
	s0 =	simm.s32 @p2 $0x1  }
0x17: {  	s4 =	simm.s32 $0x1BF5;
	[smem:$0x3FB6] =	sst s0  }
0x18: {  	s0 =	sld [smem:$0x3F99];
	_ =	swait.ge [sflag:s4], $0x0  }
0x19: {  	s7 =	sld [smem:$0x3F9A]  }
0x1a: {  	s8 =	sadd.s32 $0xFFFFE003, lr  }
0x1b: {  	s9 =	sadd.s32 $0xFFFFFEF7, lr;
	s5 =	simm.s32 $0xFFFFFFFF;
	p2 =	slt.u32 s8, $0xFFFFF086  }
0x1c: {  	p1 =	slt.u32 s9, $0xF7A;
	s5 =	simm.s32 @!p2 $0x0  }
0x1d: {  	s5 =	simm.s32 @p1 $0x1;
	p0 =	seq.s32 s7, s2  }
0x1e: {  	s7 =	smul.u32 @!p0 $0xF7A, s2;
	p2 =	seq.s32 @!p0 s5, $0x0  }
0x1f: {  	s9 =	smul.u32 $0xF7A, s1;
	s8 =	simm.s32 @!p0 $0x1BF5;
	p2 =	por !p2, p0  }
0x20: {  	[sflag:s8] =	ssyncset.s32 @!p0 $0xFFFFF086;
	s6 =	sadd.s32 @!p0 s3, s7;
	s7 =	simm.s32 @!p0 $0x108  }
0x21: {  	s3 =	sadd.s32 s3, s9;
	s6 =	sadd.s32 @!p0 $0x88, s6;
	s7 =	simm.s32 @p2 $0x1082  }
0x22: {  	[simem:s7], [sflag:s8] =	dma.local @!p0 [hbm:s6], $0xF7A  }
0x23: {  	s9 =	sor.u32 $0xD0000000, s2;
	s6 =	simm.s32 $0x108;
	_ =	swait.ge @!p0 [sflag:s8], $0x0  }
0x24: {  	s3 =	sadd.s32 $0x88, s3;
	s6 =	simm.s32 @!p1 $0x1082;
	[sflag:s4] =	ssyncset.s32 $0xFFFFF086  }
0x25: {  	[simem:s6], [sflag:s4] =	dma.local [hbm:s3], $0xF7A  }
0x26: {  	[smem:$0x3F9A] =	sst s1;
	(tag) =	ssettag s2;
	_ =	strace s9  }
0x27: {  	s1 =	sld [smem:$0x3FAA]  }
0x28: {  	s2 =	sld [smem:$0x3FAB]  }
0x29: {  	s4 =	sld [smem:$0x3FAD]  }
0x2a: {  	p0 =	seq.s32 s5, $0x0;
	s5 =	sld [smem:$0x3FAE]  }
0x2b: {  	s6 =	sld [smem:$0x3FAF]  }
0x2c: {  	s7 =	sld [smem:$0x3FB0]  }
0x2d: {  	s3 =	simm.s32 $0x108;
	s8 =	sld [smem:$0x3FB1]  }
0x2e: {  	s3 =	simm.s32 @!p0 $0x1082;
	s9 =	sld [smem:$0x3FB2]  }
0x2f: {  	lr =	sadd.s32 s0, s3;
	s0 =	sld [smem:$0x3FA9]  }
0x30: {  	s3 =	sld [smem:$0x3FAC]  }
0x31: {  	[smem:$0x3FB5] =	sst s10  }
0x32: {  	s10 =	sld [smem:$0x3FB3];
	_ =	sdelay $0x3  }
0x33: {  	p0 =	seq.s32 s10, $0x1;
	s10 =	sld [smem:$0x3FB5];
	_ =	sdelay $0x3  }
0x34: {  	[smem:$0x3FB5] =	sst s10  }
0x35: {  	s10 =	sld [smem:$0x3FB4];
	_ =	sdelay $0x3  }
0x36: {  	p1 =	seq.s32 s10, $0x1;
	s10 =	sld [smem:$0x3FB5];
	_ =	sdelay $0x3  }
0x37: {  	[smem:$0x3FB5] =	sst s10  }
0x38: {  	s10 =	sld [smem:$0x3FB6]  }
0x39: {  	_ = 	snop;
	(pc) =	sbr.ind lr, $3  }
0x3a: {  	_ = 	snop  }
0x3b: {  	_ = 	snop  }
0x3c: {  	p2 =	seq.s32 s10, $0x1;
	s10 =	sld [smem:$0x3FB5]  }
0x3d: {  	_ =	shalt  }
0x3e: {  	_ =	shalt  }
0x3f: {  	_ =	shalt  }
0x40: {  	_ =	shalt  }
0x41: {  	_ =	shalt  }
0x42: {  	_ =	shalt  }
0x43: {  	_ =	shalt  }
0x44: {  	_ =	shalt  }
0x45: {  	_ =	shalt  }
0x46: {  	_ =	shalt  }
0x47: {  	_ =	shalt  }
0x48: {  	_ =	shalt  }
0x49: {  	_ =	shalt  }
0x4a: {  	_ =	shalt  }
0x4b: {  	_ =	shalt  }
0x4c: {  	_ =	shalt  }
0x4d: {  	_ =	shalt  }
0x4e: {  	_ =	shalt  }
0x4f: {  	_ =	shalt  }
0x50: {  	_ =	shalt  }
0x51: {  	_ =	shalt  }
0x52: {  	_ =	shalt  }
0x53: {  	_ =	shalt  }
0x54: {  	_ =	shalt  }
0x55: {  	_ =	shalt  }
0x56: {  	_ =	shalt  }
0x57: {  	_ =	shalt  }
0x58: {  	_ =	shalt  }
0x59: {  	_ =	shalt  }
0x5a: {  	_ =	shalt  }
0x5b: {  	_ =	shalt  }
0x5c: {  	_ =	shalt  }
0x5d: {  	_ =	shalt  }
0x5e: {  	_ =	shalt  }
0x5f: {  	_ =	shalt  }
0x60: {  	_ =	shalt  }
0x61: {  	_ =	shalt  }
0x62: {  	_ =	shalt  }
0x63: {  	_ =	shalt  }
0x64: {  	_ =	shalt  }
0x65: {  	_ =	shalt  }
0x66: {  	_ =	shalt  }
0x67: {  	_ =	shalt  }
0x68: {  	_ =	shalt  }
0x69: {  	_ =	shalt  }
0x6a: {  	_ =	shalt  }
0x6b: {  	_ =	shalt  }
0x6c: {  	_ =	shalt  }
0x6d: {  	_ =	shalt  }
0x6e: {  	_ =	shalt  }
0x6f: {  	_ =	shalt  }
0x70: {  	_ =	shalt  }
0x71: {  	_ =	shalt  }
0x72: {  	_ =	shalt  }
0x73: {  	_ =	shalt  }
0x74: {  	_ =	shalt  }
0x75: {  	_ =	shalt  }
0x76: {  	_ =	shalt  }
0x77: {  	_ =	shalt  }
0x78: {  	_ =	shalt  }
0x79: {  	_ =	shalt  }
0x7a: {  	_ =	shalt  }
0x7b: {  	_ =	shalt  }
0x7c: {  	_ =	shalt  }
0x7d: {  	_ =	shalt  }
0x7e: {  	_ =	shalt  }
0x7f: {  	_ =	shalt  }
0x80: {  	_ =	shalt  }
0x81: {  	_ =	shalt  }
0x82: {  	_ =	shalt  }
0x83: {  	_ =	shalt  }
0x84: {  	_ =	shalt  }
0x85: {  	_ =	shalt  }
0x86: {  	_ =	shalt  }
0x87: {  	_ =	shalt  }
.Lfunc_end0:
.L_simem_size_0:
called_computation.1_lowered:
.L_overlay_start_0:
0x88: {  	s2 =	sld [smem:$0x3FD9]  }
0x89: {  	s3 =	sld [smem:$0x3FFE];
	_ =	sdelay $0x1  }
0x8a: {  	s1 =	srdreg.scid  }
0x8b: {  	s0 =	sand.u32 $0x1, s1  }
0x8c: {  	s14 =	sshll.u32 s0, $0xA;
	s2 =	sadd.s32 s3, s2  }
0x8d: {  	s2 =	sadd.s32 s2, s14  }
0x8e: {  	[smem:$0x3FC1] =	sst s2  }
0x8f: {  	_ = 	snop  }
0x90: {  	s2 =	sld [smem:$0x3FD0];
	_ =	sdelay $0x2  }
0x91: {  	s15 =	simm.s32 $0xA;
	s4 =	simm.s32 $0x10  }
0x92: {  	[smem:s4], [sflag:s15] =	dma.local [hbm:s2], $0x1  }
0x93: {  	_ =	swait.eq [sflag:s15], $0x1  }
0x94: {  	s16 =	sld [smem:$0x11];
	[sflag:s15] =	ssyncset.done $0x0  }
0x95: {  	s17 =	sld [smem:$0x13];
	[sflag:s15] =	ssyncadd.s32 $0xFFFFFFFF  }
0x96: {  	s18 =	sld [smem:$0x14];
	(tm) =	ssettm $0x1  }
0x97: {  	s5 =	sld [smem:$0x3FFB];
	_ =	sdelay $0x3  }
0x98: {  	_ =	strace s5  }
0x99: {  	s5 =	sld [smem:$0x3FFC];
	_ =	sdelay $0x3  }
0x9a: {  	_ =	strace s5  }
0x9b: {  	s5 =	sld [smem:$0x3FFD];
	_ =	sdelay $0x3  }
0x9c: {  	_ =	strace s5  }
0x9d: {  	_ =	strace $0x8FFFFFFF  }
0x9e: {  	s19 =	sld [smem:$0x3FDB];
	_ =	sdelay $0x1  }
0x9f: {  	s6 =	simm.s32 $_scs_section_size  }
0xa0: {  	s7 =	simm.s32 $_size__tile_overlayer_lowered;
	s8 =	simm.s32 $_tile_overlayer_lowered  }
0xa1: {  	s22 =	simm.s32 $0x1BFF;
	s21 =	sshll.u32 s8, $0x1;
	s5 =	sadd.s32 s6, s19  }
0xa2: {  	s9 =	simm.s32 $0x0;
	s20 =	sshll.u32 s7, $0x1;
	s7 =	sadd.s32 s21, s5  }
0xa3: {  	[timem:s9], [sflag:s22] =	dma.local [hbm:s7], s20  }
0xa4: {  	_ =	swait.ge [sflag:s22], s20  }
0xa5: {  	s6 =	ssub.s32 $0x0, s20;
	[sflag:s22] =	ssyncset.done $0x0  }
0xa6: {  	[sflag:s22] =	ssyncadd.s32 s6;
	_ =	sdelay $0x1  }
0xa7: {  	s23 =	simm.s32 $0x1B8B  }
0xa8: {  	_ =	swait.ge [sflag:s23], $0x1  }
0xa9: {  	[sflag:s23] =	ssyncset.done $0x0  }
0xaa: {  	s25 =	simm.s32 $0x1B8E;
	s24 =	sld [smem:$0x3FFE];
	[sflag:s23] =	ssyncadd.s32 $0xFFFFFFFF  }
0xab: {  	s26 =	simm.s32 $execute0_lowered;
	[smem:$0x3FD2] =	sst s25  }
0xac: {  	s7 =	sshll.u32 s26, $0x1;
	_ =	strace $0x80000046;
	[dreg:$0x1] =	wrdreg $0xFFFFFFFF  }
0xad: {  	s28 =	simm.s32 $_size_execute0_lowered;
	s5 =	sadd.s32 s5, s7;
	[dreg:$0x0] =	wrdreg $0x0  }
0xae: {  	s7 =	sshll.u32 s28, $0x1;
	[dreg:$0x2] =	wrdreg s5  }
0xaf: {  	[dreg:$0x3] =	wrdreg s7  }
0xb0: {  	[dreg:$0x4] =	wrdreg $0xC0  }
0xb1: {  	_ =	task [dreg:s9], $0x5FFFF  }
0xb2: {  	[dreg:$0x1] =	wrdreg $0xFFFFFFFF  }
0xb3: {  	[dreg:$0x0] =	wrdreg $0x60  }
0xb4: {  	[dreg:$0x2] =	wrdreg s18  }
0xb5: {  	[dreg:$0x3] =	wrdreg s24  }
0xb6: {  	[dreg:$0x4] =	wrdreg s16  }
0xb7: {  	[dreg:$0x5] =	wrdreg s17  }
0xb8: {  	[dreg:$0x6] =	wrdreg $0x9  }
0xb9: {  	_ =	task.clear_ibuf [dreg:s9], $0x7FFFF;
	_ =	strace $0x90000046  }
0xba: {  	s29 =	simm.s32 $0x9;
	_ =	strace $0x80000048  }
0xbb: {  	_ =	swait.ge [sflag:s29], $0x1  }
0xbc: {  	[sflag:s29] =	ssyncadd.s32 $0xFFFFFFFF  }
0xbd: {  	_ =	strace $0x90000048  }
0xbe: {  	_ =	sfence  }
0xbf: {  	s30 =	sld [smem:$0x0];
	_ =	sdelay $0x2  }
0xc0: {  	s31 =	sshll.u32 s1, $0xD;
	s1 =	sshrl.u32 s1, $0x2  }
0xc1: {  	s3 =	sand.u32 $0x4000, s31;
	s1 =	sadd.s32 s1, s30  }
0xc2: {  	s0 =	sor.u32 s3, s0;
	s1 =	sshll.u32 s1, $0x11  }
0xc3: {  	s0 =	sor.u32 s1, s0  }
0xc4: {  	s0 =	sadd.s32 $0x8F2B, s0  }
0xc5: {  	[sflag:s0] =	ssyncadd.remote.s32 $0x1  }
0xc6: {  	_ =	sfence.sel $0xFFFF  }
0xc7: {  	[dreg:$0x0] =	wrdreg $0xFFFFFFFF;
	(pc) =	sbr.abs _section_cstart, $3  }
0xc8: {  	[dreg:$0x1] =	wrdreg $0xFFFFFFFF  }
0xc9: {  	_ =	task.clear_ibuf [dreg:s9], $0x2FFFF;
	_ =	strace $0x9FFFFFFF  }
0xca: {  	(tm) =	ssettm $0x7FFFFFFF  }
0xcb: {  	_ =	shalt  }
tec
execute0_lowered:
.L_overlay_start_1:
0x0: {  	(tag) =	ssettag $0x1  }
0x1: {  	s1 =	rddreg [dreg:$0x0]  }
0x2: {  	s0 =	rddreg [dreg:$0x1]  }
0x3: {  	s2 =	rddreg [dreg:$0x2]  }
0x4: {  	s4 =	rddreg [dreg:$0x3];
	s3 =	simm.s32 $0x0  }
0x5: {  	s6 =	srdreg.scid;
	s21 =	stileid.u32;
	s22 =	simm.s32 $0x9400  }
0x6: {  	s23 =	simm.s32 $0x9C00;
	s24 =	simm.s32 $0xA400;
	s25 =	simm.s32 $0xAC00  }
0x7: {  	s26 =	simm.s32 $0xB400;
	s29 =	simm.s32 $0xBC00;
	s15 =	simm.s32 $0x400  }
0x8: {  	s30 =	simm.s32 $0xC400;
	[smem:$0x7FF] =	sst s3;
	s5 =	sadd.s32 $0x600, s0  }
0x9: {  	s16 =	simm.s32 $0xC00;
	_ =	strace $0x80000047;
	[dreg:$0xd] =	wrdreg s5  }
0xa: {  	s31 =	simm.s32 $0xCC00;
	s17 =	simm.s32 $0x80;
	[dreg:$0x5] =	wrdreg s22  }
0xb: {  	s18 =	simm.s32 $0x8C00;
	s19 =	simm.s32 $0xD400;
	[dreg:$0x6] =	wrdreg s23  }
0xc: {  	s20 =	simm.s32 $0xDC00;
	s28 =	simm.s32 $0x0;
	[dreg:$0x7] =	wrdreg s24  }
0xd: {  	s12 =	sand.u32 $0x1, s6;
	s6 =	sadd.s32 $0x200, s0;
	[dreg:$0x8] =	wrdreg s25  }
0xe: {  	s7 =	sshll.u32 s21, $0x11;
	s10 =	sshll.u32 s21, $0x10;
	[dreg:$0x9] =	wrdreg s26  }
0xf: {  	s21 =	simm.s32 $0xE400;
	s8 =	ssub.s32 $0x2, s12;
	[dreg:$0xa] =	wrdreg s29  }
0x10: {  	s11 =	sshll.u32 s12, $0xF;
	s0 =	sadd.s32 s7, s0;
	[dreg:$0xb] =	wrdreg s30  }
0x11: {  	v1 =	vimm.s32 $0xEDCBA987;
	v2 =	vimm.s32 $0x6543210F;
	s12 =	sshll.u32 s12, $0x10;
	[dreg:$0xc] =	wrdreg s31;
	s22 =	simm.s32 $0xEC00  }
0x12: {  	v4 =	vunpack.c.l.s4.s8 v1;
	v5 =	vunpack.c.l.s4.s8 v2;
	s23 =	simm.s32 $0xF400;
	s24 =	simm.s32 $0xFC00;
	s25 =	simm.s32 $0x10400  }
0x13: {  	v0 =	vlaneseq.u32;
	v3 =	vimm.s32 $0x0;
	vm0 =	vmxor vm0, vm0;
	s26 =	simm.s32 $0x1;
	s9 =	sshrl.u32 s8, $0x1;
	s7 =	sor.u32 s11, s10  }
0x14: {  	vm1 =	vmmov $0x1;
	s0 =	sadd.s32 s12, s0;
	v7 =	vunpack.c.0.s8.s32 v4;
	v8 =	vunpack.c.0.s8.s32 v5;
	s13 =	ssub.s32 s8, s9;
	s8 =	sadd.s32 $0x8000, s7  }
0x15: {  	v2 =	vmul.u32 $0x400, v0;
	v6 =	vadd.s32 $0x1, v0;
	v4 =	vimm.s32 $0x100000;
	s9 =	sadd.s32 $0x1FFFE, s1;
	s10 =	sshrl.u32 s7, $0x3;
	s12 =	sadd.s32 $0x800, s0  }
0x16: {  	v5 =	vadd.s32 $0x800FFFF1, v0;
	v1 =	vmov s7;
	s10 =	sadd.s32 s4, s10;
	s11 =	smax.u32 s13, $0x1;
	s13 =	simm.s32 $0x2;
	v7 =	vcombine.low v8, v7  }
.LBB2_1:
0x17: {  	s0 =	rddreg [dreg:$0xd]  }
0x18: {  	[tilespmem:s3], [sflag:$0x2] =	stream.linear.gather [hbm4b:s0+s3], $0x400, $0x38;
	[tilespmem:$0x10C20] =	vst v63  }
0x19: {  	_ =	swait.ge [sflag:s13], $0x400  }
0x1a: {  	[sflag:s13] =	ssyncset.done $0x0  }
0x1b: {  	s4 =	simm.s32 $0x10C00;
	[sflag:s13] =	ssyncadd.s32 $0xFFFFFC00  }
0x1c: {  	[tilespmem:s4], [sflag:$0x2] =	stream.linear.gather [hbm4b:s6+s3], $0x20, $0x38;
	[tilespmem:$0x10C20] =	vst v63  }
0x1d: {  	_ =	swait.ge [sflag:s13], $0x20  }
0x1e: {  	[sflag:s13] =	ssyncset.done $0x0  }
0x1f: {  	[sflag:s13] =	ssyncadd.s32 $0xFFFFFFE0  }
0x20: {  	v9 =	vld [tilespmem:s3+$0x0];
	_ =	sdelay $0x1  }
0x21: {  	v8 =	vld [tilespmem:$0x10C00];
	_ =	sdelay $0x2  }
0x22: {  	v9 =	vmul.f32 $1.048576000e+06, v9  }
0x23: {  	s5 =	simm.s32 $0x10  }
0x24: {  	v10 =	vld [tilespmem:s5+$0x0];
	v11 =	vsub.f32 v9, v8;
	_ =	sdelay $0x1  }
0x25: {  	v11 =	vtrunc.f32 v11  }
0x26: {  	v11 =	vcvt.f32.s32 v11;
	_ =	sdelay $0x1  }
0x27: {  	v10 =	vmul.f32 $1.048576000e+06, v10;
	vm4 =	vlt.s32 v11, $0x0  }
0x28: {  	v12 =	vadd.s32 $0x2, v11;
	v13 =	vadd.s32 $0x3, v11;
	v14 =	vadd.s32 $0xFFFFFFFE, v11  }
0x29: {  	v15 =	vadd.s32 $0xFFFFFFFF, v11;
	v16 =	vadd.s32 $0x1, v11;
	v11 =	vcvt.s32.f32 v11  }
0x2a: {  	vm3 =	vlt.s32 v12, $0x0;
	vm2 =	vlt.s32 v13, $0x0;
	v12 =	vcvt.s32.f32 v12  }
0x2b: {  	v13 =	vcvt.s32.f32 v13;
	vm5 =	vlt.s32 v16, $0x0;
	v17 =	vcvt.s32.f32 v14  }
0x2c: {  	v16 =	vcvt.s32.f32 v16;
	v18 =	vcvt.s32.f32 v15;
	v11 =	vadd.f32 v11, v8  }
0x2d: {  	vm6 =	vlt.s32 v14, $0x0;
	v13 =	vadd.f32 v13, v8;
	v12 =	vadd.f32 v12, v8  }
0x2e: {  	vm7 =	vlt.s32 v15, $0x0;
	v16 =	vadd.f32 v16, v8;
	v51 =	vadd.f32 v18, v8  }
0x2f: {  	v15 =	vadd.f32 v17, v8;
	vm8 =	vle.f32 v11, v9;
	vm9 =	vle.f32 v12, v9  }
0x30: {  	vm10 =	vle.f32 v13, v9;
	vm11 =	vle.f32 v51, v9;
	vm4 =	vmor vm4, vm8  }
0x31: {  	vm8 =	vle.f32 v16, v9;
	vm12 =	vle.f32 v15, v9;
	vm7 =	vmor vm7, vm11  }
0x32: {  	v12 =	vld [tilespmem:$0x10C10];
	v9 =	vsel vm4, $0x1, v3;
	vm4 =	vmor vm6, vm12;
	vm3 =	vmor vm3, vm9  }
0x33: {  	vm2 =	vmor vm2, vm10;
	v11 =	vsel vm7, $0x1, v3;
	v9 =	vadd.s32 v9, v14  }
0x34: {  	v13 =	vsel vm4, $0x1, v3;
	vm4 =	vmor vm5, vm8;
	v9 =	vadd.s32 v11, v9  }
0x35: {  	v14 =	vsub.f32 v10, v8;
	v11 =	vsel vm4, $0x1, v3;
	v9 =	vadd.s32 v13, v9  }
0x36: {  	v13 =	vsel vm3, $0x1, v3;
	v9 =	vadd.s32 v11, v9;
	v11 =	vsel vm2, $0x1, v3  }
0x37: {  	vm2 =	vgt.f32 v12, $5.000000000e-01;
	v12 =	vtrunc.f32 v14;
	v9 =	vadd.s32 v13, v9  }
0x38: {  	v15 =	vmov s3;
	v12 =	vcvt.f32.s32 v12;
	v9 =	vadd.s32 v11, v9  }
0x39: {  	v11 =	vshll.u32 v15, $0xA;
	vm3 =	vgt.s32 v9, $0x0  }
0x3a: {  	s29 =	simm.s32 $0x20;
	v11 =	vor.u32 v2, v11;
	vm6 =	vlt.s32 v12, $0x0;
	v14 =	vadd.s32 $0x3, v12  }
0x3b: {  	v13 =	vld [tilespmem:s29+$0x0];
	v15 =	vadd.s32 $0xFFFFFFFE, v12;
	v52 =	vadd.s32 $0xFFFFFFFF, v12;
	v53 =	vadd.s32 $0x1, v12  }
0x3c: {  	v9 =	vnsel vm3, $0x0, v9;
	v11 =	vadd.s32 $0x400, v11;
	vm4 =	vlt.s32 v14, $0x0  }
0x3d: {  	v14 =	vcvt.s32.f32 v14;
	vm7 =	vlt.s32 v53, $0x0;
	v54 =	vcvt.s32.f32 v15  }
0x3e: {  	v17 =	vcvt.s32.f32 v53;
	v19 =	vcvt.s32.f32 v52;
	v9 =	vmin.u32 v9, $0x100000  }
0x3f: {  	vm8 =	vlt.s32 v15, $0x0;
	vm9 =	vlt.s32 v52, $0x0;
	v9 =	vsel vm2, v9, v11  }
0x40: {  	v11 =	vmul.f32 $1.048576000e+06, v13;
	v13 =	vadd.s32 $0x2, v12;
	v14 =	vadd.f32 v14, v8  }
0x41: {  	v12 =	vcvt.s32.f32 v12;
	v17 =	vadd.f32 v17, v8;
	v55 =	vadd.f32 v54, v8  }
0x42: {  	v56 =	vadd.f32 v19, v8;
	vm5 =	vlt.s32 v13, $0x0;
	v13 =	vcvt.s32.f32 v13  }
0x43: {  	vm3 =	vle.u32 v9, v1;
	v9 =	vor.u32 $0x80000000, v9;
	v12 =	vadd.f32 v12, v8  }
0x44: {  	v9 =	vnsel vm3, $0x80000000, v9;
	vm12 =	vle.f32 v14, v10;
	v13 =	vadd.f32 v13, v8  }
0x45: {  	vm13 =	vle.f32 v56, v10;
	vm14 =	vle.f32 v55, v10;
	vm10 =	vle.f32 v12, v10  }
0x46: {  	vm9 =	vmor vm9, vm13;
	vm11 =	vle.f32 v13, v10;
	vm6 =	vmor vm6, vm10  }
0x47: {  	(xrf0) =	vmax.scan.msk.u32 $0xffff, v9;
	vm10 =	vle.f32 v17, v10;
	v10 =	vsel vm9, $0x1, v3;
	v9 =	vsel vm6, $0x1, v3  }
0x48: {  	vm6 =	vmor vm8, vm14;
	vm5 =	vmor vm5, vm11;
	v9 =	vadd.s32 v9, v15  }
0x49: {  	v12 =	vsel vm6, $0x1, v3;
	vm6 =	vmor vm7, vm10;
	v9 =	vadd.s32 v10, v9  }
0x4a: {  	v10 =	vsel vm6, $0x1, v3;
	v9 =	vadd.s32 v12, v9;
	v12 =	vsel vm5, $0x1, v3  }
0x4b: {  	s30 =	simm.s32 $0x30;
	vm4 =	vmor vm4, vm12;
	v9 =	vadd.s32 v10, v9  }
0x4c: {  	v14 =	vsub.f32 v11, v8;
	v13 =	vsel vm4, $0x1, v3;
	v10 =	vld [tilespmem:s30+$0x0];
	v9 =	vadd.s32 v12, v9  }
0x4d: {  	v15 =	vmov s5;
	v12, _, _ =	vpop (xrf0);
	v9 =	vadd.s32 v13, v9  }
0x4e: {  	v13 =	vtrunc.f32 v14;
	(v2sf) =	vpush v12, $0xF;
	vm4 =	vgt.s32 v9, $0x0  }
0x4f: {  	v12 =	vshll.u32 v15, $0xA;
	v13 =	vcvt.f32.s32 v13;
	v9 =	vnsel vm4, $0x0, v9  }
0x50: {  	v14 =	vsel vm3, $0x1, v3;
	v12 =	vor.u32 v2, v12;
	v9 =	vmin.u32 v9, $0x100000  }
0x51: {  	v12 =	vadd.s32 $0x400, v12;
	v10 =	vmul.f32 $1.048576000e+06, v10;
	vm6 =	vlt.s32 v13, $0x0  }
0x52: {  	(xrf0) =	vadd.scan.msk.s32 $0xffff, v14;
	v14 =	vadd.s32 $0x3, v13;
	v15 =	vadd.s32 $0xFFFFFFFE, v13;
	v9 =	vsel vm2, v9, v12  }
0x53: {  	v57 =	vadd.s32 $0xFFFFFFFF, v13;
	vm3 =	vle.u32 v9, v1;
	v9 =	vor.u32 $0x80000000, v9  }
0x54: {  	v58 =	vadd.s32 $0x1, v13;
	v12 =	vadd.s32 $0x2, v13;
	v9 =	vnsel vm3, $0x80000000, v9  }
0x55: {  	vm4 =	vlt.s32 v14, $0x0;
	vm7 =	vlt.s32 v58, $0x0;
	v17 =	vcvt.s32.f32 v58;
	(xrf0) =	vmax.scan.msk.u32 $0xffff, v9  }
0x56: {  	vm8 =	vlt.s32 v15, $0x0;
	v59 =	vcvt.s32.f32 v57;
	v9 =	vcvt.s32.f32 v13  }
0x57: {  	vm5 =	vlt.s32 v12, $0x0;
	v12 =	vcvt.s32.f32 v12;
	v61 =	vadd.f32 v17, v8  }
0x58: {  	v62 =	vadd.f32 v59, v8;
	v13 =	vcvt.s32.f32 v14;
	v14 =	vcvt.s32.f32 v15  }
0x59: {  	vm9 =	vlt.s32 v57, $0x0;
	v12 =	vadd.f32 v12, v8;
	v60 =	vadd.f32 v9, v8  }
0x5a: {  	vm13 =	vle.f32 v62, v11;
	v13 =	vadd.f32 v13, v8;
	v14 =	vadd.f32 v14, v8;
	v9, _, _ =	vpop (xrf0)  }
0x5b: {  	vm11 =	vle.f32 v12, v11;
	vm9 =	vmor vm9, vm13;
	vm10 =	vle.f32 v60, v11;
	v63, _, _ =	vpop (xrf0)  }
0x5c: {  	vm12 =	vle.f32 v13, v11;
	vm6 =	vmor vm6, vm10;
	(v2sf) =	vpush v63, $0xF  }
0x5d: {  	vm14 =	vle.f32 v14, v11;
	vm10 =	vle.f32 v61, v11;
	v11 =	vsel vm6, $0x1, v3  }
0x5e: {  	v12 =	vsel vm9, $0x1, v3;
	vm6 =	vmor vm8, vm14;
	v11 =	vadd.s32 v11, v15;
	s14 =	spop (v2sf)  }
0x5f: {  	v13 =	vsel vm6, $0x1, v3;
	vm6 =	vmor vm7, vm10;
	v11 =	vadd.s32 v12, v11;
	s0 =	sxor.u32 $0x80000000, s14  }
0x60: {  	s31 =	simm.s32 $0x0;
	vm5 =	vmor vm5, vm11;
	v12 =	vsel vm6, $0x1, v3;
	v13 =	vadd.s32 v13, v11;
	p0 =	slt.s32 s0, $0x0  }
0x61: {  	s4 =	simm.s32 $0x40;
	vm4 =	vmor vm4, vm12;
	v11 =	vsel vm5, $0x1, v3;
	s14 =	simm.s32 $0x40;
	v12 =	vadd.s32 v12, v13;
	s0 =	smov.u32 @p0 s3  }
.LBB2_2:
0x62: {  	s5 =	smov.u32 s0  }
0x63: {  	p0 =	sne.s32 s14, $0x3F0;
	v14 =	vsel vm4, $0x1, v3;
	v11 =	vadd.s32 v11, v12;
	v12 =	vsel vm3, $0x1, v3;
	v13 =	vld [tilespmem:s4+$0x0]  }
0x64: {  	v15 =	vsub.f32 v10, v8;
	v16 =	vmov s29;
	s29 =	smov.u32 s30;
	s30 =	smov.u32 s14;
	v11 =	vadd.s32 v14, v11;
	(xrf0) =	vadd.scan.msk.s32 $0xffff, v12  }
0x65: {  	v12 =	vshll.u32 v16, $0xA;
	vm3 =	vgt.s32 v11, $0x0;
	(v2sf) =	vpush v9, $0xF  }
0x66: {  	v9 =	vtrunc.f32 v15;
	v12 =	vor.u32 v2, v12;
	v11 =	vnsel vm3, $0x0, v11  }
0x67: {  	v14 =	vcvt.f32.s32 v9;
	v9 =	vmin.u32 v11, $0x100000;
	v11 =	vadd.s32 $0x400, v12  }
0x68: {  	v17 =	vsel vm2, v9, v11;
	v12 =	vmul.f32 $1.048576000e+06, v13  }
0x69: {  	vm6 =	vlt.s32 v14, $0x0;
	vm3 =	vle.u32 v17, v1;
	v16 =	vor.u32 $0x80000000, v17  }
0x6a: {  	v11 =	vadd.s32 $0x2, v14;
	v13 =	vadd.s32 $0x3, v14;
	v15 =	vnsel vm3, $0x80000000, v16;
	v9, _, _ =	vpop (xrf0)  }
0x6b: {  	v17 =	vadd.s32 $0xFFFFFFFF, v14;
	v18 =	vadd.s32 $0x1, v14;
	v16 =	vadd.s32 $0xFFFFFFFE, v14;
	(xrf0) =	vmax.scan.msk.u32 $0xffff, v15;
	s0 =	spop (v2sf)  }
0x6c: {  	v14 =	vcvt.s32.f32 v14;
	vm5 =	vlt.s32 v11, $0x0;
	vm4 =	vlt.s32 v13, $0x0;
	s0 =	sxor.u32 $0x80000000, s0  }
0x6d: {  	vm7 =	vlt.s32 v18, $0x0;
	v11 =	vcvt.s32.f32 v11;
	v13 =	vcvt.s32.f32 v13;
	p1 =	sgt.s32 s5, s0  }
0x6e: {  	v18 =	vcvt.s32.f32 v18;
	vm8 =	vlt.s32 v16, $0x0;
	v15 =	vcvt.s32.f32 v16;
	s0 =	smov.u32 @p1 s5  }
0x6f: {  	v19 =	vcvt.s32.f32 v17;
	v20 =	vadd.f32 v14, v8;
	v13 =	vadd.f32 v13, v8  }
0x70: {  	vm9 =	vlt.s32 v17, $0x0;
	v17 =	vadd.f32 v18, v8;
	v11 =	vadd.f32 v11, v8  }
0x71: {  	v18 =	vadd.f32 v19, v8;
	v15 =	vadd.f32 v15, v8;
	vm10 =	vle.f32 v20, v10;
	v14, _, _ =	vpop (xrf0)  }
0x72: {  	vm11 =	vle.f32 v11, v10;
	vm12 =	vle.f32 v13, v10;
	(v2sf) =	vpush v14, $0xF  }
0x73: {  	vm13 =	vle.f32 v18, v10;
	vm6 =	vmor vm6, vm10;
	vm10 =	vle.f32 v17, v10  }
.Ltmp0:
0x74: {  	vm9 =	vmor vm9, vm13;
	vm14 =	vle.f32 v15, v10;
	v11 =	vsel vm6, $0x1, v3;
	v10 =	vmovc v12;
	s5 =	spop (v2sf);
	(pc) =	sbr.rel @p0 .LBB2_2-.Ltmp0, $4  }
0x75: {  	v12 =	vsel vm9, $0x1, v3;
	vm6 =	vmor vm8, vm14;
	v11 =	vadd.s32 v11, v16;
	s31 =	sadd.s32 s31, s5  }
0x76: {  	v13 =	vsel vm6, $0x1, v3;
	vm6 =	vmor vm7, vm10;
	v11 =	vadd.s32 v12, v11  }
0x77: {  	vm5 =	vmor vm5, vm11;
	v12 =	vsel vm6, $0x1, v3;
	v13 =	vadd.s32 v13, v11  }
0x78: {  	s14 =	sadd.s32 $0x10, s14;
	s4 =	sadd.s32 $0x10, s4;
	vm4 =	vmor vm4, vm12;
	v11 =	vsel vm5, $0x1, v3;
	v12 =	vadd.s32 v12, v13  }
0x79: {  	v13 =	vsub.f32 v10, v8  }
0x7a: {  	v14 =	vsel vm4, $0x1, v3  }
0x7b: {  	v11 =	vadd.s32 v11, v12;
	v53 =	vmov s29;
	v13 =	vtrunc.f32 v13  }
0x7c: {  	v15 =	vsel vm3, $0x1, v3;
	v11 =	vadd.s32 v14, v11;
	v13 =	vcvt.f32.s32 v13  }
0x7d: {  	v62 =	vmov s30;
	v12 =	vshll.u32 v53, $0xA;
	vm3 =	vgt.s32 v11, $0x0  }
0x7e: {  	v11 =	vnsel vm3, $0x0, v11;
	v54 =	vcvt.s32.f32 v13;
	vm12 =	vlt.s32 v13, $0x0  }
0x7f: {  	v16 =	vadd.s32 $0x2, v13;
	v17 =	vadd.s32 $0x3, v13;
	v18 =	vadd.s32 $0xFFFFFFFE, v13  }
0x80: {  	v55 =	vadd.s32 $0xFFFFFFFF, v13;
	v13 =	vadd.s32 $0x1, v13;
	vm3 =	vlt.s32 v16, $0x0  }
0x81: {  	v16 =	vcvt.s32.f32 v16;
	vm6 =	vlt.s32 v17, $0x0;
	v14 =	vadd.f32 v54, v8  }
0x82: {  	vm7 =	vlt.s32 v13, $0x0;
	v17 =	vcvt.s32.f32 v17;
	v13 =	vcvt.s32.f32 v13  }
0x83: {  	v16 =	vadd.f32 v16, v8;
	vm5 =	vle.f32 v14, v10;
	v14 =	vcvt.s32.f32 v55  }
0x84: {  	vm8 =	vlt.s32 v55, $0x0;
	v56 =	vcvt.s32.f32 v18;
	v17 =	vadd.f32 v17, v8  }
0x85: {  	v13 =	vadd.f32 v13, v8;
	vm9 =	vle.f32 v16, v10;
	v14 =	vadd.f32 v14, v8  }
0x86: {  	vm4 =	vmor vm12, vm5;
	vm5 =	vlt.s32 v18, $0x0;
	v16 =	vadd.f32 v56, v8  }
0x87: {  	vm10 =	vle.f32 v17, v10;
	vm12 =	vle.f32 v13, v10;
	vm11 =	vle.f32 v14, v10  }
0x88: {  	vm13 =	vle.f32 v16, v10;
	v10 =	vsel vm4, $0x1, v3;
	vm8 =	vmor vm8, vm11  }
0x89: {  	vm13 =	vmor vm5, vm13;
	v10 =	vadd.s32 v10, v18;
	v57 =	vsel vm8, $0x1, v3  }
0x8a: {  	vm14 =	vmor vm7, vm12;
	v58 =	vsel vm13, $0x1, v3;
	v10 =	vadd.s32 v57, v10  }
0x8b: {  	vm3 =	vmor vm3, vm9;
	v59 =	vsel vm14, $0x1, v3;
	v10 =	vadd.s32 v58, v10  }
0x8c: {  	v60 =	vsel vm3, $0x1, v3;
	vm3 =	vmor vm6, vm10;
	v10 =	vadd.s32 v59, v10  }
0x8d: {  	v12 =	vor.u32 v2, v12;
	v61 =	vsel vm3, $0x1, v3;
	v10 =	vadd.s32 v60, v10  }
0x8e: {  	v12 =	vadd.s32 $0x400, v12;
	v11 =	vmin.u32 v11, $0x100000;
	v10 =	vadd.s32 v61, v10  }
0x8f: {  	v63 =	vshll.u32 v62, $0xA;
	v11 =	vsel vm2, v11, v12;
	vm3 =	vgt.s32 v10, $0x0  }
0x90: {  	v12 =	vor.u32 v2, v63;
	vm15 =	vle.u32 v11, v1;
	v10 =	vnsel vm3, $0x0, v10  }
0x91: {  	(xrf0) =	vadd.scan.msk.s32 $0xffff, v15;
	v11 =	vor.u32 $0x80000000, v11;
	v12 =	vadd.s32 $0x400, v12;
	v10 =	vmin.u32 v10, $0x100000  }
0x92: {  	v11 =	vnsel vm15, $0x80000000, v11;
	v10 =	vsel vm2, v10, v12  }
0x93: {  	(xrf0) =	vmax.scan.msk.u32 $0xffff, v11;
	v11 =	vsel vm15, $0x1, v3;
	vm3 =	vle.u32 v10, v1;
	v10 =	vor.u32 $0x80000000, v10  }
0x94: {  	(xrf0) =	vadd.scan.msk.s32 $0xffff, v11;
	v10 =	vnsel vm3, $0x80000000, v10  }
0x95: {  	(xrf0) =	vmax.scan.msk.u32 $0xffff, v10  }
0x96: {  	v10 =	vsel vm3, $0x1, v3  }
0x97: {  	v11, _, _ =	vpop (xrf0);
	(xrf0) =	vadd.scan.msk.s32 $0xffff, v10;
	_ =	sdelay $0x1  }
0x98: {  	(v2sf) =	vpush v9, $0xF;
	v10, _, _ =	vpop (xrf0)  }
0x99: {  	v9, _, _ =	vpop (xrf0);
	(v2sf) =	vpush v10, $0xF  }
0x9a: {  	(v2sf) =	vpush v11, $0xF;
	v10, _, _ =	vpop (xrf0)  }
0x9b: {  	(v2sf) =	vpush v10, $0xF  }
0x9c: {  	(v2sf) =	vpush v9, $0xF;
	v9, _, _ =	vpop (xrf0)  }
0x9d: {  	(v2sf) =	vpush v9, $0xF;
	_ =	sdelay $0x7  }
0x9e: {  	s4 =	spop (v2sf)  }
0x9f: {  	s4 =	sxor.u32 $0x80000000, s4  }
0xa0: {  	p0 =	sgt.s32 s0, s4;
	s5 =	spop (v2sf)  }
0xa1: {  	s30 =	simm.s32 $0x0;
	s4 =	smov.u32 @p0 s0;
	s14 =	spop (v2sf)  }
0xa2: {  	s5 =	sadd.s32 s31, s5;
	s29 =	spop (v2sf);
	s14 =	sxor.u32 $0x80000000, s14  }
0xa3: {  	p0 =	sgt.s32 s4, s14;
	s5 =	sadd.s32 s5, s29;
	s0 =	spop (v2sf)  }
0xa4: {  	s14 =	smov.u32 @p0 s4;
	s0 =	sxor.u32 $0x80000000, s0;
	s29 =	spop (v2sf)  }
0xa5: {  	p0 =	sgt.s32 s14, s0;
	s4 =	sadd.s32 s5, s29;
	s31 =	spop (v2sf)  }
0xa6: {  	s0 =	smov.u32 @p0 s14;
	s4 =	sadd.s32 s4, s31;
	s14 =	simm.s32 $0x40  }
.LBB2_4:
0xa7: {  	p0 =	sne.s32 s14, $0x1FFC0;
	[tilespmem:s30+$0xC00] =	vst v3;
	s5 =	smov.u32 s14;
	s14 =	sadd.s32 $0x40, s14  }
.Ltmp1:
0xa8: {  	(pc) =	sbr.rel @p0 .LBB2_4-.Ltmp1, $2  }
0xa9: {  	_ =	sdelay $0x2  }
0xaa: {  	s30 =	sshra.s32 s5, $0x2  }
0xab: {  	s29 =	sshll.u32 s4, $0xA  }
0xac: {  	p0 =	sgt.s32 s29, $0xFFFFF  }
.Ltmp2:
0xad: {  	_ = 	snop;
	(pc) =	sbr.rel @p0 .LBB2_9-.Ltmp2, $2  }
0xae: {  	_ =	sdelay $0x2  }
0xaf: {  	[tilespmem:s30+$0xC00] =	vst v3  }
.LBB2_6:
0xb0: {  	p0 =	slt.s32 s29, $0xFF800;
	s30 =	smov.u32 s29  }
0xb1: {  	s30 =	simm.s32 @!p0 $0xFF800  }
0xb2: {  	s4 =	sshrl.u32 s30, $0x3  }
0xb3: {  	s5 =	simm.s32 $0x0;
	s4 =	sadd.s32 s1, s4  }
0xb4: {  	[tilespmem:s15], [sflag:$0x2] =	stream.linear.gather [hbm4b:s4+s5], $0x800, $0x38;
	[tilespmem:$0x10C20] =	vst v63  }
0xb5: {  	_ =	swait.ge [sflag:s13], $0x800  }
0xb6: {  	[sflag:s13] =	ssyncset.done $0x0  }
0xb7: {  	s5 =	simm.s32 $0x0;
	[sflag:s13] =	ssyncadd.s32 $0xFFFFF800  }
0xb8: {  	v9 =	vld [tilespmem:s5+$0x400];
	_ =	sdelay $0x4  }
0xb9: {  	v9 =	vmul.f32 $1.048576000e+06, v9;
	_ =	sdelay $0x1  }
0xba: {  	v10 =	vsub.f32 v9, v8;
	_ =	sdelay $0x1  }
0xbb: {  	v10 =	vtrunc.f32 v10  }
0xbc: {  	v10 =	vcvt.f32.s32 v10;
	_ =	sdelay $0x1  }
0xbd: {  	v11 =	vadd.s32 $0xFFFFFFFF, v10;
	v12 =	vcvt.s32.f32 v10  }
0xbe: {  	vm3 =	vlt.s32 v10, $0x0;
	v13 =	vadd.s32 $0xFFFFFFFE, v10;
	v15 =	vadd.s32 $0x3, v10  }
0xbf: {  	v18 =	vadd.s32 $0x1, v10;
	v10 =	vadd.s32 $0x2, v10;
	v14 =	vcvt.s32.f32 v11  }
0xc0: {  	v16 =	vcvt.s32.f32 v13;
	v17 =	vcvt.s32.f32 v15;
	vm5 =	vlt.s32 v10, $0x0  }
0xc1: {  	vm7 =	vlt.s32 v11, $0x0;
	vm8 =	vlt.s32 v18, $0x0;
	v11 =	vcvt.s32.f32 v18  }
0xc2: {  	v10 =	vcvt.s32.f32 v10;
	v12 =	vadd.f32 v12, v8;
	v14 =	vadd.f32 v14, v8  }
0xc3: {  	vm13 =	vlt.s32 v15, $0x0;
	v16 =	vadd.f32 v16, v8;
	v59 =	vadd.f32 v17, v8  }
0xc4: {  	v11 =	vadd.f32 v11, v8;
	v10 =	vadd.f32 v10, v8;
	vm4 =	vle.f32 v12, v9  }
0xc5: {  	vm6 =	vle.f32 v14, v9;
	vm3 =	vmor vm3, vm4;
	vm4 =	vle.f32 v16, v9  }
0xc6: {  	vm6 =	vmor vm7, vm6;
	v60 =	vsel vm3, $0x1, v3;
	vm3 =	vlt.s32 v13, $0x0  }
0xc7: {  	vm14 =	vle.f32 v10, v9;
	v61 =	vsel vm6, $0x1, v3;
	vm3 =	vmor vm3, vm4  }
0xc8: {  	v13 =	vadd.s32 v60, v13;
	v62 =	vsel vm3, $0x1, v3;
	vm3 =	vle.f32 v11, v9  }
0xc9: {  	vm4 =	vle.f32 v59, v9;
	v13 =	vadd.s32 v61, v13;
	vm3 =	vmor vm8, vm3  }
0xca: {  	v9 =	vadd.s32 v62, v13;
	v10 =	vsel vm3, $0x1, v3;
	vm3 =	vmor vm5, vm14  }
0xcb: {  	vm4 =	vmor vm13, vm4;
	v11 =	vsel vm3, $0x1, v3;
	v9 =	vadd.s32 v10, v9  }
0xcc: {  	v10 =	vsel vm4, $0x1, v3;
	v9 =	vadd.s32 v11, v9  }
0xcd: {  	v9 =	vadd.s32 v10, v9  }
0xce: {  	vm3 =	vgt.s32 v9, $0x0  }
0xcf: {  	v9 =	vnsel vm3, $0x0, v9  }
0xd0: {  	v10 =	vadd.s32 s30, v6;
	v9 =	vmin.u32 v9, $0x100000  }
0xd1: {  	v9 =	vsel vm2, v9, v10  }
0xd2: {  	v11 =	vperm.xlane v9, v7  }
0xd3: {  	vm3 =	veq.s32 v0, $0x0  }
0xd4: {  	v11 =	vsel vm3, s0, v11  }
0xd5: {  	vm5 =	vgt.s32 v9, v1;
	v63 =	vsub.s32 v11, v1;
	vm4 =	vgt.s32 v9, v11  }
0xd6: {  	v9 =	vxor.u32 $0x80000000, v9;
	vm4 =	vmand vm4, vm5;
	vm5 =	vlt.s32 v63, $0x8000  }
0xd7: {  	vm15 =	vgt.s32 v63, $0x0;
	(xrf0) =	vmax.scan.msk.u32 $0xffff, v9;
	vm4 =	vmand vm5, vm4  }
0xd8: {  	v11 =	vnsel vm15, $0x0, v63;
	_ =	sdelay $0x4  }
0xd9: {  	[tilespmem:v11+s16+$0x0] =	vst.idx.msk vm4, v10;
	v10, _, _ =	vpop (xrf0)  }
0xda: {  	(v2sf) =	vpush v10, $0xF;
	_ =	sdelay $0x1  }
0xdb: {  	s14 =	simm.s32 $0x10  }
0xdc: {  	v9 =	vld [tilespmem:s14+$0x400];
	_ =	sdelay $0x4  }
0xdd: {  	v9 =	vmul.f32 $1.048576000e+06, v9;
	_ =	sdelay $0x1  }
0xde: {  	s31 =	smov.u32 s30;
	s0 =	simm.s32 $0x80;
	v10 =	vsub.f32 v9, v8  }
.LBB2_7:
0xdf: {  	p0 =	sne.s32 s0, $0x1FC0  }
0xe0: {  	s31 =	sadd.s32 $0x10, s31;
	s4 =	smov.u32 s0;
	s0 =	sadd.s32 $0x40, s0  }
0xe1: {  	v10 =	vtrunc.f32 v10  }
0xe2: {  	v10 =	vcvt.f32.s32 v10  }
0xe3: {  	s5 =	spop (v2sf)  }
0xe4: {  	v11 =	vadd.s32 $0xFFFFFFFF, v10;
	v12 =	vcvt.s32.f32 v10;
	vm5 =	vlt.s32 v10, $0x0;
	s14 =	sxor.u32 $0x80000000, s5  }
0xe5: {  	v13 =	vadd.s32 $0xFFFFFFFE, v10;
	v15 =	vadd.s32 $0x3, v10;
	v14 =	vcvt.s32.f32 v11  }
0xe6: {  	v16 =	vcvt.s32.f32 v13;
	v17 =	vcvt.s32.f32 v15;
	v12 =	vadd.f32 v12, v8  }
0xe7: {  	v18 =	vadd.s32 $0x1, v10;
	v10 =	vadd.s32 $0x2, v10;
	v14 =	vadd.f32 v14, v8  }
0xe8: {  	vm4 =	vlt.s32 v10, $0x0;
	v16 =	vadd.f32 v16, v8;
	vm6 =	vle.f32 v12, v9  }
0xe9: {  	v12 =	vadd.f32 v17, v8;
	vm7 =	vle.f32 v14, v9;
	vm5 =	vmor vm5, vm6  }
0xea: {  	vm8 =	vlt.s32 v11, $0x0;
	vm9 =	vlt.s32 v18, $0x0;
	vm6 =	vle.f32 v16, v9  }
0xeb: {  	v14 =	vcvt.s32.f32 v18;
	vm7 =	vmor vm8, vm7;
	v11 =	vsel vm5, $0x1, v3  }
0xec: {  	v10 =	vcvt.s32.f32 v10;
	vm5 =	vlt.s32 v13, $0x0;
	v16 =	vsel vm7, $0x1, v3  }
0xed: {  	vm5 =	vmor vm5, vm6;
	v14 =	vadd.f32 v14, v8;
	v11 =	vadd.s32 v11, v13  }
0xee: {  	v10 =	vadd.f32 v10, v8;
	v13 =	vsel vm5, $0x1, v3;
	v11 =	vadd.s32 v16, v11  }
0xef: {  	vm6 =	vle.f32 v12, v9;
	vm7 =	vlt.s32 v15, $0x0;
	vm5 =	vle.f32 v14, v9  }
0xf0: {  	vm8 =	vle.f32 v10, v9;
	v9 =	vadd.s32 v13, v11;
	vm5 =	vmor vm9, vm5  }
0xf1: {  	vm4 =	vmor vm4, vm8;
	v10 =	vsel vm5, $0x1, v3;
	vm5 =	vmor vm7, vm6  }
0xf2: {  	v11 =	vsel vm4, $0x1, v3;
	v12 =	vsel vm5, $0x1, v3;
	v9 =	vadd.s32 v10, v9  }
0xf3: {  	v9 =	vadd.s32 v11, v9  }
0xf4: {  	v9 =	vadd.s32 v12, v9  }
0xf5: {  	vm4 =	vgt.s32 v9, $0x0  }
0xf6: {  	v9 =	vnsel vm4, $0x0, v9  }
0xf7: {  	v10 =	vadd.s32 s31, v6;
	v9 =	vmin.u32 v9, $0x100000  }
0xf8: {  	v9 =	vsel vm2, v9, v10  }
0xf9: {  	v11 =	vperm.xlane v9, v7;
	v12 =	vxor.u32 $0x80000000, v9  }
0xfa: {  	(xrf0) =	vmax.scan.msk.u32 $0xffff, v12  }
0xfb: {  	v11 =	vsel vm3, s14, v11  }
0xfc: {  	vm5 =	vgt.s32 v9, v1;
	v12 =	vsub.s32 v11, v1;
	vm4 =	vgt.s32 v9, v11  }
0xfd: {  	vm6 =	vgt.s32 v12, $0x0;
	vm4 =	vmand vm4, vm5;
	vm5 =	vlt.s32 v12, $0x8000  }
0xfe: {  	v9 =	vnsel vm6, $0x0, v12;
	vm4 =	vmand vm5, vm4;
	_ =	sdelay $0x1  }
0xff: {  	v11, _, _ =	vpop (xrf0)  }
0x100: {  	(v2sf) =	vpush v11, $0xF;
	_ =	sdelay $0x2  }
0x101: {  	s4 =	sshra.s32 s4, $0x2;
	[tilespmem:v9+s16+$0x0] =	vst.idx.msk vm4, v10  }
0x102: {  	v9 =	vld [tilespmem:s4+$0x400];
	_ =	sdelay $0x2  }
.Ltmp3:
0x103: {  	(pc) =	sbr.rel @p0 .LBB2_7-.Ltmp3, $3  }
0x104: {  	_ = 	snop  }
0x105: {  	v9 =	vmul.f32 $1.048576000e+06, v9;
	_ =	sdelay $0x1  }
0x106: {  	v10 =	vsub.f32 v9, v8  }
0x107: {  	_ = 	snop  }
0x108: {  	v10 =	vtrunc.f32 v10  }
0x109: {  	v10 =	vcvt.f32.s32 v10;
	_ =	sdelay $0x1  }
0x10a: {  	v11 =	vadd.s32 $0xFFFFFFFF, v10;
	v12 =	vcvt.s32.f32 v10  }
0x10b: {  	vm3 =	vlt.s32 v10, $0x0;
	v13 =	vadd.s32 $0xFFFFFFFE, v10;
	v15 =	vadd.s32 $0x3, v10  }
0x10c: {  	v18 =	vadd.s32 $0x1, v10;
	v10 =	vadd.s32 $0x2, v10;
	v14 =	vcvt.s32.f32 v11  }
0x10d: {  	v16 =	vcvt.s32.f32 v13;
	v17 =	vcvt.s32.f32 v15;
	vm5 =	vlt.s32 v10, $0x0  }
0x10e: {  	vm7 =	vlt.s32 v11, $0x0;
	vm8 =	vlt.s32 v18, $0x0;
	v11 =	vcvt.s32.f32 v18  }
0x10f: {  	v10 =	vcvt.s32.f32 v10;
	v12 =	vadd.f32 v12, v8;
	v14 =	vadd.f32 v14, v8  }
0x110: {  	vm11 =	vlt.s32 v15, $0x0;
	v16 =	vadd.f32 v16, v8;
	v59 =	vadd.f32 v17, v8  }
0x111: {  	v11 =	vadd.f32 v11, v8;
	v10 =	vadd.f32 v10, v8;
	vm4 =	vle.f32 v12, v9  }
0x112: {  	vm6 =	vle.f32 v14, v9;
	vm3 =	vmor vm3, vm4;
	vm15 =	vle.f32 v16, v9  }
0x113: {  	vm6 =	vmor vm7, vm6;
	v60 =	vsel vm3, $0x1, v3;
	vm3 =	vlt.s32 v13, $0x0  }
0x114: {  	vm10 =	vle.f32 v59, v9;
	v61 =	vsel vm6, $0x1, v3;
	vm3 =	vmor vm3, vm15  }
0x115: {  	v13 =	vadd.s32 v60, v13;
	v62 =	vsel vm3, $0x1, v3;
	vm3 =	vle.f32 v11, v9  }
0x116: {  	vm12 =	vle.f32 v10, v9;
	v13 =	vadd.s32 v61, v13;
	vm3 =	vmor vm8, vm3  }
0x117: {  	v9 =	vadd.s32 v62, v13;
	v10 =	vsel vm3, $0x1, v3;
	vm3 =	vmor vm5, vm12  }
0x118: {  	vm4 =	vmor vm11, vm10;
	v11 =	vsel vm3, $0x1, v3;
	v9 =	vadd.s32 v10, v9  }
0x119: {  	v10 =	vsel vm4, $0x1, v3;
	v9 =	vadd.s32 v11, v9  }
0x11a: {  	v9 =	vadd.s32 v10, v9  }
0x11b: {  	vm3 =	vgt.s32 v9, $0x0  }
0x11c: {  	s0 =	sadd.s32 $0x10, s31;
	v9 =	vnsel vm3, $0x0, v9  }
0x11d: {  	v10 =	vadd.s32 s0, v6;
	v9 =	vmin.u32 v9, $0x100000  }
0x11e: {  	v9 =	vsel vm2, v9, v10  }
0x11f: {  	v11 =	vxor.u32 $0x80000000, v9  }
0x120: {  	(xrf0) =	vmax.scan.msk.u32 $0xffff, v11;
	_ =	sdelay $0x5  }
0x121: {  	v11, _, _ =	vpop (xrf0)  }
0x122: {  	(v2sf) =	vpush v11, $0xF;
	_ =	sdelay $0xb  }
0x123: {  	s14 =	spop (v2sf);
	v11 =	vperm.xlane v9, v7  }
0x124: {  	s0 =	sxor.u32 $0x80000000, s14;
	vm3 =	veq.s32 v0, $0x0  }
0x125: {  	v11 =	vsel vm3, s0, v11  }
0x126: {  	vm13 =	vgt.s32 v9, v1;
	v63 =	vsub.s32 v11, v1;
	vm3 =	vgt.s32 v9, v11;
	s31 =	spop (v2sf)  }
0x127: {  	p0 =	sgt.s32 s29, $0xFF7FF;
	vm3 =	vmand vm3, vm13;
	vm14 =	vlt.s32 v63, $0x8000;
	s0 =	sxor.u32 $0x80000000, s31  }
0x128: {  	vm15 =	vgt.s32 v63, $0x0;
	vm3 =	vmand vm14, vm3;
	p1 =	slt.s32 @!p0 s0, s8  }
0x129: {  	v9 =	vnsel vm15, $0x0, v63;
	p0 =	por p0, !p1  }
.Ltmp4:
0x12a: {  	_ = 	snop;
	(pc) =	sbr.rel @!p0 .LBB2_6-.Ltmp4, $2  }
0x12b: {  	_ =	sdelay $0x2  }
0x12c: {  	s29 =	sadd.s32 $0x800, s30;
	[tilespmem:v9+s16+$0x0] =	vst.idx.msk vm3, v10  }
.LBB2_9:
0x12d: {  	s0 =	simm.s32 $0x0  }
0x12e: {  	[tilespmem:s15], [sflag:$0x2] =	stream.linear.gather [hbm4b:s9+s0], $0x10, $0x38;
	[tilespmem:$0x10C20] =	vst v63  }
0x12f: {  	_ =	swait.ge [sflag:s13], $0x10  }
0x130: {  	[sflag:s13] =	ssyncset.done $0x0  }
0x131: {  	[sflag:s13] =	ssyncadd.s32 $0xFFFFFFF0  }
0x132: {  	v9 =	vld [tilespmem:$0x400];
	_ =	sdelay $0x4  }
0x133: {  	v9 =	vmul.f32 $1.048576000e+06, v9;
	_ =	sdelay $0x1  }
0x134: {  	v10 =	vsub.f32 v9, v8;
	_ =	sdelay $0x1  }
0x135: {  	v10 =	vtrunc.f32 v10  }
0x136: {  	v10 =	vcvt.f32.s32 v10;
	_ =	sdelay $0x1  }
0x137: {  	v11 =	vadd.s32 $0xFFFFFFFE, v10;
	v13 =	vadd.s32 $0xFFFFFFFF, v10  }
0x138: {  	v54 =	vcvt.s32.f32 v10;
	v55 =	vadd.s32 $0x1, v10;
	v58 =	vadd.s32 $0x2, v10  }
0x139: {  	vm11 =	vlt.s32 v10, $0x0;
	v10 =	vadd.s32 $0x3, v10;
	v12 =	vcvt.s32.f32 v11  }
0x13a: {  	v14 =	vcvt.s32.f32 v13;
	vm4 =	vlt.s32 v11, $0x0;
	vm5 =	vlt.s32 v13, $0x0  }
0x13b: {  	v56 =	vcvt.s32.f32 v55;
	v16 =	vcvt.s32.f32 v58;
	v12 =	vadd.f32 v12, v8  }
0x13c: {  	vm7 =	vlt.s32 v55, $0x0;
	v59 =	vcvt.s32.f32 v10;
	v14 =	vadd.f32 v14, v8  }
0x13d: {  	v57 =	vadd.f32 v56, v8;
	vm3 =	vle.f32 v12, v9;
	v12 =	vadd.f32 v54, v8  }
0x13e: {  	vm13 =	vlt.s32 v58, $0x0;
	vm15 =	vlt.s32 v10, $0x0;
	v60 =	vadd.f32 v16, v8  }
0x13f: {  	vm9 =	vle.f32 v14, v9;
	vm6 =	vle.f32 v57, v9;
	vm10 =	vle.f32 v12, v9  }
0x140: {  	v8 =	vadd.f32 v59, v8;
	vm3 =	vmor vm4, vm3;
	vm4 =	vmor vm11, vm10  }
0x141: {  	v15 =	vsel vm3, $0x1, v3;
	vm3 =	vmor vm5, vm9;
	v62 =	vsel vm4, $0x1, v3  }
0x142: {  	vm12 =	vmor vm7, vm6;
	v61 =	vsel vm3, $0x1, v3;
	v11 =	vadd.s32 v62, v11  }
0x143: {  	v63 =	vsel vm12, $0x1, v3;
	vm3 =	vle.f32 v60, v9;
	v11 =	vadd.s32 v61, v11  }
0x144: {  	vm14 =	vle.f32 v8, v9;
	vm3 =	vmor vm13, vm3;
	v8 =	vadd.s32 v15, v11  }
0x145: {  	v9 =	vsel vm3, $0x1, v3;
	vm3 =	vmor vm15, vm14;
	v8 =	vadd.s32 v63, v8  }
0x146: {  	v10 =	vsel vm3, $0x1, v3;
	v8 =	vadd.s32 v9, v8  }
0x147: {  	v8 =	vadd.s32 v10, v8  }
0x148: {  	vm3 =	vgt.s32 v8, $0x0  }
0x149: {  	v8 =	vnsel vm3, $0x0, v8  }
0x14a: {  	v8 =	vmin.u32 v8, $0x100000  }
0x14b: {  	v8 =	vor.u32 $0x80000000, v8  }
0x14c: {  	v8 =	vsel vm2, v8, v5  }
0x14d: {  	(xrf0) =	vmax.scan.msk.u32 $0xffff, v8;
	_ =	sdelay $0x5  }
0x14e: {  	v8, _, _ =	vpop (xrf0)  }
0x14f: {  	(v2sf) =	vpush v8, $0xF;
	_ =	sdelay $0xe  }
0x150: {  	s4 =	spop (v2sf)  }
0x151: {  	s4 =	sxor.u32 $0x80000000, s4  }
0x152: {  	s5 =	ssub.s32 s4, s7  }
0x153: {  	p1 =	slt.s32 s4, $0x100000;
	p0 =	slt.s32 s5, $0x8000  }
0x154: {  	p0 =	por !p1, !p0;
	p1 =	sgt.s32 s5, $0x0  }
0x155: {  	vm2 =	vmmov vm0;
	s5 =	simm.s32 @!p1 $0x0;
	p0 =	por !p0, !p0  }
0x156: {  	vm2 =	vmneg @p0 vm2;
	v8 =	vmov s5  }
0x157: {  	vm2 =	vmand vm2, vm1;
	v8 =	vbroadcast v8, $0x0;
	_ =	sdelay $0x5  }
0x158: {  	s31 =	simm.s32 $0x0;
	[tilespmem:v8+s16+$0x0] =	vst.idx.msk vm2, v4  }
0x159: {  	v8 =	vld [tilespmem:s31+$0xC00];
	_ =	sdelay $0x4  }
0x15a: {  	v8 =	vxor.u32 $0x80000000, v8  }
0x15b: {  	(xrf0) =	vmax.scan.msk.u32 $0xffff, v8;
	_ =	sdelay $0x5  }
0x15c: {  	v8, _, _ =	vpop (xrf0)  }
0x15d: {  	v8 =	vxor.u32 $0x80000000, v8  }
0x15e: {  	vm2 =	vgt.s32 v8, s0  }
0x15f: {  	v8 =	vnsel vm2, s0, v8  }
0x160: {  	v9 =	vxor.u32 $0x80000000, v8  }
0x161: {  	(xrf0) =	vmax.scan.msk.u32 $0xffff, v9;
	_ =	sdelay $0x2  }
0x162: {  	v8 =	vadd.s32 $0xFFFFFFFF, v8;
	_ =	sdelay $0x2  }
0x163: {  	[tilespmem:s31+$0xC00] =	vst v8;
	v8, _, _ =	vpop (xrf0)  }
0x164: {  	(v2sf) =	vpush v8, $0xF;
	_ =	sdelay $0x1  }
0x165: {  	s4 =	simm.s32 $0x10  }
0x166: {  	v8 =	vld [tilespmem:s4+$0xC00];
	_ =	sdelay $0x2  }
0x167: {  	s14 =	simm.s32 $0xC0;
	s0 =	simm.s32 $0x80  }
.LBB2_10:
0x168: {  	p0 =	sne.s32 s14, $0x1FFC0  }
0x169: {  	v8 =	vxor.u32 $0x80000000, v8  }
0x16a: {  	(xrf0) =	vmax.scan.msk.u32 $0xffff, v8;
	_ =	sdelay $0x5  }
0x16b: {  	v8, _, _ =	vpop (xrf0);
	s5 =	spop (v2sf)  }
0x16c: {  	v8 =	vxor.u32 $0x80000000, v8;
	s5 =	sxor.u32 $0x80000000, s5  }
0x16d: {  	vm2 =	vgt.s32 v8, s5  }
0x16e: {  	v8 =	vnsel vm2, s5, v8  }
0x16f: {  	v9 =	vadd.s32 $0xFFFFFFFF, v8;
	v8 =	vxor.u32 $0x80000000, v8  }
0x170: {  	[tilespmem:s4+$0xC00] =	vst v9;
	(xrf0) =	vmax.scan.msk.u32 $0xffff, v8;
	_ =	sdelay $0x5  }
0x171: {  	v8, _, _ =	vpop (xrf0)  }
0x172: {  	(v2sf) =	vpush v8, $0xF;
	_ =	sdelay $0x1  }
.Ltmp5:
0x173: {  	s4 =	sshra.s32 s0, $0x2;
	s0 =	smov.u32 s14;
	(pc) =	sbr.rel @p0 .LBB2_10-.Ltmp5, $2  }
0x174: {  	v8 =	vld [tilespmem:s4+$0xC00];
	_ =	sdelay $0x2  }
0x175: {  	s14 =	sadd.s32 $0x40, s14  }
0x176: {  	_ = 	snop  }
0x177: {  	v8 =	vxor.u32 $0x80000000, v8  }
0x178: {  	(xrf0) =	vmax.scan.msk.u32 $0xffff, v8;
	_ =	sdelay $0x5  }
0x179: {  	v8, _, _ =	vpop (xrf0);
	s5 =	spop (v2sf)  }
0x17a: {  	v8 =	vxor.u32 $0x80000000, v8;
	s5 =	sxor.u32 $0x80000000, s5  }
0x17b: {  	vm2 =	vgt.s32 v8, s5  }
0x17c: {  	v8 =	vnsel vm2, s5, v8  }
0x17d: {  	v9 =	vxor.u32 $0x80000000, v8  }
0x17e: {  	(xrf0) =	vmax.scan.msk.u32 $0xffff, v9;
	_ =	sdelay $0x5  }
0x17f: {  	v9, _, _ =	vpop (xrf0)  }
0x180: {  	(v2sf) =	vpush v9, $0xF  }
0x181: {  	v8 =	vadd.s32 $0xFFFFFFFF, v8  }
0x182: {  	s0 =	sshra.s32 s0, $0x2;
	[tilespmem:s4+$0xC00] =	vst v8  }
0x183: {  	v8 =	vld [tilespmem:s0+$0xC00];
	_ =	sdelay $0x4  }
0x184: {  	v8 =	vxor.u32 $0x80000000, v8  }
0x185: {  	(xrf0) =	vmax.scan.msk.u32 $0xffff, v8;
	_ =	sdelay $0x5  }
0x186: {  	v8, _, _ =	vpop (xrf0);
	s30 =	spop (v2sf)  }
0x187: {  	v8 =	vxor.u32 $0x80000000, v8;
	s4 =	sxor.u32 $0x80000000, s30  }
0x188: {  	vm2 =	vgt.s32 v8, s4  }
0x189: {  	v8 =	vnsel vm2, s4, v8  }
0x18a: {  	v63 =	vxor.u32 $0x80000000, v8  }
0x18b: {  	(xrf0) =	vmax.scan.msk.u32 $0xffff, v63;
	_ =	sdelay $0x5  }
0x18c: {  	v9, _, _ =	vpop (xrf0)  }
0x18d: {  	(v2sf) =	vpush v9, $0xF;
	_ =	sdelay $0xb  }
0x18e: {  	v8 =	vadd.s32 $0xFFFFFFFF, v8  }
0x18f: {  	[tilespmem:s0+$0xC00] =	vst v8;
	s0 =	simm.s32 $0x0  }
0x190: {  	[hbm4b:s10+s0] =	stream.linear.scatter [tilespmem:s16], [sflag:$0x2], $0x8000, $0x38;
	[tilespmem:$0x10C20] =	vst v63  }
0x191: {  	s4 =	spop (v2sf)  }
0x192: {  	_ =	swait.ge [sflag:s13], $0x8000  }
0x193: {  	[sflag:s13] =	ssyncset.done $0x0  }
0x194: {  	s5 =	simm.s32 $0xC00;
	[sflag:s13] =	ssyncadd.s32 $0xFFFF8000  }
0x195: {  	[tilespmem:s18], [sflag:$0x1] =	stream.indirect.gather [hbm4b:s2+s17], $0x10, s5, s17, $0xb8;
	[tilespmem:$0x10C20] =	vst v63  }
0x196: {  	s14 =	simm.s32 $0xC80;
	s0 =	rddreg [dreg:$0x5]  }
0x197: {  	[tilespmem:s0], [sflag:$0x1] =	stream.indirect.gather [hbm4b:s2+s17], $0x10, s14, s17, $0xb8;
	[tilespmem:$0x10C20] =	vst v63  }
0x198: {  	s4 =	simm.s32 $0xD00;
	s30 =	rddreg [dreg:$0x6]  }
0x199: {  	[tilespmem:s30], [sflag:$0x1] =	stream.indirect.gather [hbm4b:s2+s17], $0x10, s4, s17, $0xb8;
	[tilespmem:$0x10C20] =	vst v63  }
0x19a: {  	s14 =	rddreg [dreg:$0x7];
	s30 =	simm.s32 $0xD80  }
0x19b: {  	[tilespmem:s14], [sflag:$0x1] =	stream.indirect.gather [hbm4b:s2+s17], $0x10, s30, s17, $0xb8;
	[tilespmem:$0x10C20] =	vst v63  }
0x19c: {  	s5 =	rddreg [dreg:$0x8];
	s14 =	simm.s32 $0xE00  }
0x19d: {  	[tilespmem:s5], [sflag:$0x1] =	stream.indirect.gather [hbm4b:s2+s17], $0x10, s14, s17, $0xb8;
	[tilespmem:$0x10C20] =	vst v63  }
0x19e: {  	s30 =	rddreg [dreg:$0x9];
	s5 =	simm.s32 $0xE80  }
0x19f: {  	[tilespmem:s30], [sflag:$0x1] =	stream.indirect.gather [hbm4b:s2+s17], $0x10, s5, s17, $0xb8;
	[tilespmem:$0x10C20] =	vst v63  }
0x1a0: {  	s14 =	rddreg [dreg:$0xa];
	s30 =	simm.s32 $0xF00  }
0x1a1: {  	[tilespmem:s14], [sflag:$0x1] =	stream.indirect.gather [hbm4b:s2+s17], $0x10, s30, s17, $0xb8;
	[tilespmem:$0x10C20] =	vst v63  }
0x1a2: {  	s4 =	rddreg [dreg:$0xb];
	s14 =	simm.s32 $0xF80  }
0x1a3: {  	[tilespmem:s4], [sflag:$0x1] =	stream.indirect.gather [hbm4b:s2+s17], $0x10, s14, s17, $0xb8;
	[tilespmem:$0x10C20] =	vst v63  }
0x1a4: {  	s30 =	rddreg [dreg:$0xc];
	s4 =	simm.s32 $0x1000  }
0x1a5: {  	[tilespmem:s30], [sflag:$0x1] =	stream.indirect.gather [hbm4b:s2+s17], $0x10, s4, s17, $0xb8;
	[tilespmem:$0x10C20] =	vst v63  }
0x1a6: {  	s5 =	simm.s32 $0x1080  }
0x1a7: {  	[tilespmem:s19], [sflag:$0x1] =	stream.indirect.gather [hbm4b:s2+s17], $0x10, s5, s17, $0xb8;
	[tilespmem:$0x10C20] =	vst v63  }
0x1a8: {  	s14 =	simm.s32 $0x1100  }
0x1a9: {  	[tilespmem:s20], [sflag:$0x1] =	stream.indirect.gather [hbm4b:s2+s17], $0x10, s14, s17, $0xb8;
	[tilespmem:$0x10C20] =	vst v63  }
0x1aa: {  	s30 =	simm.s32 $0x1180  }
0x1ab: {  	[tilespmem:s21], [sflag:$0x1] =	stream.indirect.gather [hbm4b:s2+s17], $0x10, s30, s17, $0xb8;
	[tilespmem:$0x10C20] =	vst v63  }
0x1ac: {  	s4 =	simm.s32 $0x1200  }
0x1ad: {  	[tilespmem:s22], [sflag:$0x1] =	stream.indirect.gather [hbm4b:s2+s17], $0x10, s4, s17, $0xb8;
	[tilespmem:$0x10C20] =	vst v63  }
0x1ae: {  	s5 =	simm.s32 $0x1280  }
0x1af: {  	[tilespmem:s23], [sflag:$0x1] =	stream.indirect.gather [hbm4b:s2+s17], $0x10, s5, s17, $0xb8;
	[tilespmem:$0x10C20] =	vst v63  }
0x1b0: {  	s14 =	simm.s32 $0x1300  }
0x1b1: {  	[tilespmem:s24], [sflag:$0x1] =	stream.indirect.gather [hbm4b:s2+s17], $0x10, s14, s17, $0xb8;
	[tilespmem:$0x10C20] =	vst v63  }
0x1b2: {  	s30 =	simm.s32 $0x1380  }
0x1b3: {  	[tilespmem:s25], [sflag:$0x1] =	stream.indirect.gather [hbm4b:s2+s17], $0x10, s30, s17, $0xb8;
	[tilespmem:$0x10C20] =	vst v63  }
0x1b4: {  	_ =	swait.ge [sflag:s26], $0x800  }
0x1b5: {  	[sflag:s26] =	ssyncset.done $0x0  }
0x1b6: {  	[sflag:s26] =	ssyncadd.s32 $0xFFFFF800  }
0x1b7: {  	_ =	swait.ge [sflag:s26], $0x800  }
0x1b8: {  	[sflag:s26] =	ssyncset.done $0x0  }
0x1b9: {  	[sflag:s26] =	ssyncadd.s32 $0xFFFFF800  }
0x1ba: {  	_ =	swait.ge [sflag:s26], $0x800  }
0x1bb: {  	[sflag:s26] =	ssyncset.done $0x0  }
0x1bc: {  	[sflag:s26] =	ssyncadd.s32 $0xFFFFF800  }
0x1bd: {  	_ =	swait.ge [sflag:s26], $0x800  }
0x1be: {  	[sflag:s26] =	ssyncset.done $0x0  }
0x1bf: {  	[sflag:s26] =	ssyncadd.s32 $0xFFFFF800  }
0x1c0: {  	_ =	swait.ge [sflag:s26], $0x800  }
0x1c1: {  	[sflag:s26] =	ssyncset.done $0x0  }
0x1c2: {  	[sflag:s26] =	ssyncadd.s32 $0xFFFFF800  }
0x1c3: {  	_ =	swait.ge [sflag:s26], $0x800  }
0x1c4: {  	[sflag:s26] =	ssyncset.done $0x0  }
0x1c5: {  	[sflag:s26] =	ssyncadd.s32 $0xFFFFF800  }
0x1c6: {  	_ =	swait.ge [sflag:s26], $0x800  }
0x1c7: {  	[sflag:s26] =	ssyncset.done $0x0  }
0x1c8: {  	[sflag:s26] =	ssyncadd.s32 $0xFFFFF800  }
0x1c9: {  	_ =	swait.ge [sflag:s26], $0x800  }
0x1ca: {  	[sflag:s26] =	ssyncset.done $0x0  }
0x1cb: {  	[sflag:s26] =	ssyncadd.s32 $0xFFFFF800  }
0x1cc: {  	_ =	swait.ge [sflag:s26], $0x800  }
0x1cd: {  	[sflag:s26] =	ssyncset.done $0x0  }
0x1ce: {  	[sflag:s26] =	ssyncadd.s32 $0xFFFFF800  }
0x1cf: {  	_ =	swait.ge [sflag:s26], $0x800  }
0x1d0: {  	[sflag:s26] =	ssyncset.done $0x0  }
0x1d1: {  	[sflag:s26] =	ssyncadd.s32 $0xFFFFF800  }
0x1d2: {  	_ =	swait.ge [sflag:s26], $0x800  }
0x1d3: {  	[sflag:s26] =	ssyncset.done $0x0  }
0x1d4: {  	[sflag:s26] =	ssyncadd.s32 $0xFFFFF800  }
0x1d5: {  	_ =	swait.ge [sflag:s26], $0x800  }
0x1d6: {  	[sflag:s26] =	ssyncset.done $0x0  }
0x1d7: {  	[sflag:s26] =	ssyncadd.s32 $0xFFFFF800  }
0x1d8: {  	_ =	swait.ge [sflag:s26], $0x800  }
0x1d9: {  	[sflag:s26] =	ssyncset.done $0x0  }
0x1da: {  	[sflag:s26] =	ssyncadd.s32 $0xFFFFF800  }
0x1db: {  	_ =	swait.ge [sflag:s26], $0x800  }
0x1dc: {  	[sflag:s26] =	ssyncset.done $0x0  }
0x1dd: {  	[sflag:s26] =	ssyncadd.s32 $0xFFFFF800  }
0x1de: {  	_ =	swait.ge [sflag:s26], $0x800  }
0x1df: {  	[sflag:s26] =	ssyncset.done $0x0  }
0x1e0: {  	[sflag:s26] =	ssyncadd.s32 $0xFFFFF800  }
0x1e1: {  	_ =	swait.ge [sflag:s26], $0x800  }
0x1e2: {  	[sflag:s26] =	ssyncset.done $0x0  }
0x1e3: {  	[sflag:s26] =	ssyncadd.s32 $0xFFFFF800  }
0x1e4: {  	[hbm4b:s12+s3] =	stream.linear.scatter [tilespmem:s18], [sflag:$0x2], $0x8000, $0x38;
	[tilespmem:$0x10C20] =	vst v63  }
0x1e5: {  	s29 =	sadd.s32 $0x1000, s12;
	s31 =	simm.s32 $0x800;
	_ =	swait.ge [sflag:s13], $0x8000  }
0x1e6: {  	s14 =	simm.s32 $0x4000;
	s4 =	rddreg [dreg:$0x5];
	[sflag:s13] =	ssyncset.done $0x0  }
.LBB2_12:
0x1e7: {  	s5 =	sadd.s32 $0xC00, s31;
	[sflag:s13] =	ssyncadd.s32 $0xFFFF8000  }
0x1e8: {  	[tilespmem:s18], [sflag:$0x1] =	stream.indirect.gather [hbm4b:s2+s17], $0x10, s5, s17, $0xb8;
	[tilespmem:$0x10C20] =	vst v63  }
0x1e9: {  	s30 =	smov.u32 s14;
	s0 =	sadd.s32 $0x2000, s14;
	s5 =	sadd.s32 $0xC80, s31  }
0x1ea: {  	[tilespmem:s4], [sflag:$0x1] =	stream.indirect.gather [hbm4b:s2+s17], $0x10, s5, s17, $0xb8;
	[tilespmem:$0x10C20] =	vst v63  }
0x1eb: {  	p0 =	sne.s32 s14, $0x1E000;
	s14 =	rddreg [dreg:$0x6];
	s4 =	sadd.s32 $0xD00, s31  }
0x1ec: {  	[tilespmem:s14], [sflag:$0x1] =	stream.indirect.gather [hbm4b:s2+s17], $0x10, s4, s17, $0xb8;
	[tilespmem:$0x10C20] =	vst v63  }
0x1ed: {  	s5 =	rddreg [dreg:$0x7];
	s4 =	sadd.s32 $0xD80, s31  }
0x1ee: {  	[tilespmem:s5], [sflag:$0x1] =	stream.indirect.gather [hbm4b:s2+s17], $0x10, s4, s17, $0xb8;
	[tilespmem:$0x10C20] =	vst v63  }
0x1ef: {  	s14 =	rddreg [dreg:$0x8];
	s4 =	sadd.s32 $0xE00, s31  }
0x1f0: {  	[tilespmem:s14], [sflag:$0x1] =	stream.indirect.gather [hbm4b:s2+s17], $0x10, s4, s17, $0xb8;
	[tilespmem:$0x10C20] =	vst v63  }
0x1f1: {  	s5 =	rddreg [dreg:$0x9];
	s4 =	sadd.s32 $0xE80, s31  }
0x1f2: {  	[tilespmem:s5], [sflag:$0x1] =	stream.indirect.gather [hbm4b:s2+s17], $0x10, s4, s17, $0xb8;
	[tilespmem:$0x10C20] =	vst v63  }
0x1f3: {  	s14 =	rddreg [dreg:$0xa];
	s4 =	sadd.s32 $0xF00, s31  }
0x1f4: {  	[tilespmem:s14], [sflag:$0x1] =	stream.indirect.gather [hbm4b:s2+s17], $0x10, s4, s17, $0xb8;
	[tilespmem:$0x10C20] =	vst v63  }
0x1f5: {  	s5 =	rddreg [dreg:$0xb];
	s4 =	sadd.s32 $0xF80, s31  }
0x1f6: {  	[tilespmem:s5], [sflag:$0x1] =	stream.indirect.gather [hbm4b:s2+s17], $0x10, s4, s17, $0xb8;
	[tilespmem:$0x10C20] =	vst v63  }
0x1f7: {  	s14 =	rddreg [dreg:$0xc];
	s5 =	sadd.s32 $0x1000, s31  }
0x1f8: {  	[tilespmem:s14], [sflag:$0x1] =	stream.indirect.gather [hbm4b:s2+s17], $0x10, s5, s17, $0xb8;
	[tilespmem:$0x10C20] =	vst v63  }
0x1f9: {  	s14 =	sadd.s32 $0x1080, s31  }
0x1fa: {  	[tilespmem:s19], [sflag:$0x1] =	stream.indirect.gather [hbm4b:s2+s17], $0x10, s14, s17, $0xb8;
	[tilespmem:$0x10C20] =	vst v63  }
0x1fb: {  	s5 =	sadd.s32 $0x1100, s31  }
0x1fc: {  	[tilespmem:s20], [sflag:$0x1] =	stream.indirect.gather [hbm4b:s2+s17], $0x10, s5, s17, $0xb8;
	[tilespmem:$0x10C20] =	vst v63  }
0x1fd: {  	s14 =	sadd.s32 $0x1180, s31  }
0x1fe: {  	[tilespmem:s21], [sflag:$0x1] =	stream.indirect.gather [hbm4b:s2+s17], $0x10, s14, s17, $0xb8;
	[tilespmem:$0x10C20] =	vst v63  }
0x1ff: {  	s5 =	sadd.s32 $0x1200, s31  }
0x200: {  	[tilespmem:s22], [sflag:$0x1] =	stream.indirect.gather [hbm4b:s2+s17], $0x10, s5, s17, $0xb8;
	[tilespmem:$0x10C20] =	vst v63  }
0x201: {  	s14 =	sadd.s32 $0x1280, s31  }
0x202: {  	[tilespmem:s23], [sflag:$0x1] =	stream.indirect.gather [hbm4b:s2+s17], $0x10, s14, s17, $0xb8;
	[tilespmem:$0x10C20] =	vst v63  }
0x203: {  	s5 =	sadd.s32 $0x1300, s31  }
0x204: {  	[tilespmem:s24], [sflag:$0x1] =	stream.indirect.gather [hbm4b:s2+s17], $0x10, s5, s17, $0xb8;
	[tilespmem:$0x10C20] =	vst v63  }
0x205: {  	s14 =	sadd.s32 $0x1380, s31  }
0x206: {  	[tilespmem:s25], [sflag:$0x1] =	stream.indirect.gather [hbm4b:s2+s17], $0x10, s14, s17, $0xb8;
	[tilespmem:$0x10C20] =	vst v63  }
0x207: {  	_ =	swait.ge [sflag:s26], $0x800  }
0x208: {  	[sflag:s26] =	ssyncset.done $0x0  }
0x209: {  	[sflag:s26] =	ssyncadd.s32 $0xFFFFF800  }
0x20a: {  	_ =	swait.ge [sflag:s26], $0x800  }
0x20b: {  	[sflag:s26] =	ssyncset.done $0x0  }
0x20c: {  	[sflag:s26] =	ssyncadd.s32 $0xFFFFF800  }
0x20d: {  	_ =	swait.ge [sflag:s26], $0x800  }
0x20e: {  	[sflag:s26] =	ssyncset.done $0x0  }
0x20f: {  	[sflag:s26] =	ssyncadd.s32 $0xFFFFF800  }
0x210: {  	_ =	swait.ge [sflag:s26], $0x800  }
0x211: {  	[sflag:s26] =	ssyncset.done $0x0  }
0x212: {  	[sflag:s26] =	ssyncadd.s32 $0xFFFFF800  }
0x213: {  	_ =	swait.ge [sflag:s26], $0x800  }
0x214: {  	[sflag:s26] =	ssyncset.done $0x0  }
0x215: {  	[sflag:s26] =	ssyncadd.s32 $0xFFFFF800  }
0x216: {  	_ =	swait.ge [sflag:s26], $0x800  }
0x217: {  	[sflag:s26] =	ssyncset.done $0x0  }
0x218: {  	[sflag:s26] =	ssyncadd.s32 $0xFFFFF800  }
0x219: {  	_ =	swait.ge [sflag:s26], $0x800  }
0x21a: {  	[sflag:s26] =	ssyncset.done $0x0  }
0x21b: {  	[sflag:s26] =	ssyncadd.s32 $0xFFFFF800  }
0x21c: {  	_ =	swait.ge [sflag:s26], $0x800  }
0x21d: {  	[sflag:s26] =	ssyncset.done $0x0  }
0x21e: {  	[sflag:s26] =	ssyncadd.s32 $0xFFFFF800  }
0x21f: {  	_ =	swait.ge [sflag:s26], $0x800  }
0x220: {  	[sflag:s26] =	ssyncset.done $0x0  }
0x221: {  	[sflag:s26] =	ssyncadd.s32 $0xFFFFF800  }
0x222: {  	_ =	swait.ge [sflag:s26], $0x800  }
0x223: {  	[sflag:s26] =	ssyncset.done $0x0  }
0x224: {  	[sflag:s26] =	ssyncadd.s32 $0xFFFFF800  }
0x225: {  	_ =	swait.ge [sflag:s26], $0x800  }
0x226: {  	[sflag:s26] =	ssyncset.done $0x0  }
0x227: {  	[sflag:s26] =	ssyncadd.s32 $0xFFFFF800  }
0x228: {  	_ =	swait.ge [sflag:s26], $0x800  }
0x229: {  	[sflag:s26] =	ssyncset.done $0x0  }
0x22a: {  	[sflag:s26] =	ssyncadd.s32 $0xFFFFF800  }
0x22b: {  	_ =	swait.ge [sflag:s26], $0x800  }
0x22c: {  	[sflag:s26] =	ssyncset.done $0x0  }
0x22d: {  	[sflag:s26] =	ssyncadd.s32 $0xFFFFF800  }
0x22e: {  	_ =	swait.ge [sflag:s26], $0x800  }
0x22f: {  	[sflag:s26] =	ssyncset.done $0x0  }
0x230: {  	[sflag:s26] =	ssyncadd.s32 $0xFFFFF800  }
0x231: {  	_ =	swait.ge [sflag:s26], $0x800  }
0x232: {  	[sflag:s26] =	ssyncset.done $0x0  }
0x233: {  	[sflag:s26] =	ssyncadd.s32 $0xFFFFF800  }
0x234: {  	_ =	swait.ge [sflag:s26], $0x800  }
.Ltmp6:
0x235: {  	[sflag:s26] =	ssyncset.done $0x0;
	(pc) =	sbr.rel @p0 .LBB2_12-.Ltmp6, $4  }
0x236: {  	[sflag:s26] =	ssyncadd.s32 $0xFFFFF800  }
0x237: {  	[hbm4b:s29+s3] =	stream.linear.scatter [tilespmem:s18], [sflag:$0x2], $0x8000, $0x38;
	[tilespmem:$0x10C20] =	vst v63  }
0x238: {  	s31 =	sshra.s32 s30, $0x2;
	s14 =	smov.u32 s0;
	_ =	swait.ge [sflag:s13], $0x8000  }
0x239: {  	s29 =	sadd.s32 $0x1000, s29;
	s4 =	rddreg [dreg:$0x5];
	[sflag:s13] =	ssyncset.done $0x0  }
0x23a: {  	s0 =	sadd.s32 $0xC00, s31;
	[sflag:s13] =	ssyncadd.s32 $0xFFFF8000  }
0x23b: {  	[tilespmem:s18], [sflag:$0x1] =	stream.indirect.gather [hbm4b:s2+s17], $0x10, s0, s17, $0xb8;
	[tilespmem:$0x10C20] =	vst v63  }
0x23c: {  	s30 =	sadd.s32 $0xC80, s31  }
0x23d: {  	[tilespmem:s4], [sflag:$0x1] =	stream.indirect.gather [hbm4b:s2+s17], $0x10, s30, s17, $0xb8;
	[tilespmem:$0x10C20] =	vst v63  }
0x23e: {  	s5 =	rddreg [dreg:$0x6];
	s4 =	sadd.s32 $0xD00, s31  }
0x23f: {  	[tilespmem:s5], [sflag:$0x1] =	stream.indirect.gather [hbm4b:s2+s17], $0x10, s4, s17, $0xb8;
	[tilespmem:$0x10C20] =	vst v63  }
0x240: {  	s14 =	rddreg [dreg:$0x7];
	s30 =	sadd.s32 $0xD80, s31  }
0x241: {  	[tilespmem:s14], [sflag:$0x1] =	stream.indirect.gather [hbm4b:s2+s17], $0x10, s30, s17, $0xb8;
	[tilespmem:$0x10C20] =	vst v63  }
0x242: {  	s5 =	rddreg [dreg:$0x8];
	s14 =	sadd.s32 $0xE00, s31  }
0x243: {  	[tilespmem:s5], [sflag:$0x1] =	stream.indirect.gather [hbm4b:s2+s17], $0x10, s14, s17, $0xb8;
	[tilespmem:$0x10C20] =	vst v63  }
0x244: {  	s30 =	rddreg [dreg:$0x9];
	s5 =	sadd.s32 $0xE80, s31  }
0x245: {  	[tilespmem:s30], [sflag:$0x1] =	stream.indirect.gather [hbm4b:s2+s17], $0x10, s5, s17, $0xb8;
	[tilespmem:$0x10C20] =	vst v63  }
0x246: {  	s14 =	rddreg [dreg:$0xa];
	s30 =	sadd.s32 $0xF00, s31  }
0x247: {  	[tilespmem:s14], [sflag:$0x1] =	stream.indirect.gather [hbm4b:s2+s17], $0x10, s30, s17, $0xb8;
	[tilespmem:$0x10C20] =	vst v63  }
0x248: {  	s4 =	rddreg [dreg:$0xb];
	s14 =	sadd.s32 $0xF80, s31  }
0x249: {  	[tilespmem:s4], [sflag:$0x1] =	stream.indirect.gather [hbm4b:s2+s17], $0x10, s14, s17, $0xb8;
	[tilespmem:$0x10C20] =	vst v63  }
0x24a: {  	s30 =	rddreg [dreg:$0xc];
	s4 =	sadd.s32 $0x1000, s31  }
0x24b: {  	[tilespmem:s30], [sflag:$0x1] =	stream.indirect.gather [hbm4b:s2+s17], $0x10, s4, s17, $0xb8;
	[tilespmem:$0x10C20] =	vst v63  }
0x24c: {  	s14 =	sadd.s32 $0x1080, s31  }
0x24d: {  	[tilespmem:s19], [sflag:$0x1] =	stream.indirect.gather [hbm4b:s2+s17], $0x10, s14, s17, $0xb8;
	[tilespmem:$0x10C20] =	vst v63  }
0x24e: {  	s30 =	sadd.s32 $0x1100, s31  }
0x24f: {  	[tilespmem:s20], [sflag:$0x1] =	stream.indirect.gather [hbm4b:s2+s17], $0x10, s30, s17, $0xb8;
	[tilespmem:$0x10C20] =	vst v63  }
0x250: {  	s4 =	sadd.s32 $0x1180, s31  }
0x251: {  	[tilespmem:s21], [sflag:$0x1] =	stream.indirect.gather [hbm4b:s2+s17], $0x10, s4, s17, $0xb8;
	[tilespmem:$0x10C20] =	vst v63  }
0x252: {  	s5 =	sadd.s32 $0x1200, s31  }
0x253: {  	[tilespmem:s22], [sflag:$0x1] =	stream.indirect.gather [hbm4b:s2+s17], $0x10, s5, s17, $0xb8;
	[tilespmem:$0x10C20] =	vst v63  }
0x254: {  	s14 =	sadd.s32 $0x1280, s31  }
0x255: {  	[tilespmem:s23], [sflag:$0x1] =	stream.indirect.gather [hbm4b:s2+s17], $0x10, s14, s17, $0xb8;
	[tilespmem:$0x10C20] =	vst v63  }
0x256: {  	s30 =	sadd.s32 $0x1300, s31  }
0x257: {  	[tilespmem:s24], [sflag:$0x1] =	stream.indirect.gather [hbm4b:s2+s17], $0x10, s30, s17, $0xb8;
	[tilespmem:$0x10C20] =	vst v63  }
0x258: {  	s31 =	sadd.s32 $0x1380, s31  }
0x259: {  	[tilespmem:s25], [sflag:$0x1] =	stream.indirect.gather [hbm4b:s2+s17], $0x10, s31, s17, $0xb8;
	[tilespmem:$0x10C20] =	vst v63  }
0x25a: {  	_ =	swait.ge [sflag:s26], $0x800  }
0x25b: {  	[sflag:s26] =	ssyncset.done $0x0  }
0x25c: {  	[sflag:s26] =	ssyncadd.s32 $0xFFFFF800  }
0x25d: {  	_ =	swait.ge [sflag:s26], $0x800  }
0x25e: {  	[sflag:s26] =	ssyncset.done $0x0  }
0x25f: {  	[sflag:s26] =	ssyncadd.s32 $0xFFFFF800  }
0x260: {  	_ =	swait.ge [sflag:s26], $0x800  }
0x261: {  	[sflag:s26] =	ssyncset.done $0x0  }
0x262: {  	[sflag:s26] =	ssyncadd.s32 $0xFFFFF800  }
0x263: {  	_ =	swait.ge [sflag:s26], $0x800  }
0x264: {  	[sflag:s26] =	ssyncset.done $0x0  }
0x265: {  	[sflag:s26] =	ssyncadd.s32 $0xFFFFF800  }
0x266: {  	_ =	swait.ge [sflag:s26], $0x800  }
0x267: {  	[sflag:s26] =	ssyncset.done $0x0  }
0x268: {  	[sflag:s26] =	ssyncadd.s32 $0xFFFFF800  }
0x269: {  	_ =	swait.ge [sflag:s26], $0x800  }
0x26a: {  	[sflag:s26] =	ssyncset.done $0x0  }
0x26b: {  	[sflag:s26] =	ssyncadd.s32 $0xFFFFF800  }
0x26c: {  	_ =	swait.ge [sflag:s26], $0x800  }
0x26d: {  	[sflag:s26] =	ssyncset.done $0x0  }
0x26e: {  	[sflag:s26] =	ssyncadd.s32 $0xFFFFF800  }
0x26f: {  	_ =	swait.ge [sflag:s26], $0x800  }
0x270: {  	[sflag:s26] =	ssyncset.done $0x0  }
0x271: {  	[sflag:s26] =	ssyncadd.s32 $0xFFFFF800  }
0x272: {  	_ =	swait.ge [sflag:s26], $0x800  }
0x273: {  	[sflag:s26] =	ssyncset.done $0x0  }
0x274: {  	[sflag:s26] =	ssyncadd.s32 $0xFFFFF800  }
0x275: {  	_ =	swait.ge [sflag:s26], $0x800  }
0x276: {  	[sflag:s26] =	ssyncset.done $0x0  }
0x277: {  	[sflag:s26] =	ssyncadd.s32 $0xFFFFF800  }
0x278: {  	_ =	swait.ge [sflag:s26], $0x800  }
0x279: {  	[sflag:s26] =	ssyncset.done $0x0  }
0x27a: {  	[sflag:s26] =	ssyncadd.s32 $0xFFFFF800  }
0x27b: {  	_ =	swait.ge [sflag:s26], $0x800  }
0x27c: {  	[sflag:s26] =	ssyncset.done $0x0  }
0x27d: {  	[sflag:s26] =	ssyncadd.s32 $0xFFFFF800  }
0x27e: {  	_ =	swait.ge [sflag:s26], $0x800  }
0x27f: {  	[sflag:s26] =	ssyncset.done $0x0  }
0x280: {  	[sflag:s26] =	ssyncadd.s32 $0xFFFFF800  }
0x281: {  	_ =	swait.ge [sflag:s26], $0x800  }
0x282: {  	[sflag:s26] =	ssyncset.done $0x0  }
0x283: {  	[sflag:s26] =	ssyncadd.s32 $0xFFFFF800  }
0x284: {  	_ =	swait.ge [sflag:s26], $0x800  }
0x285: {  	[sflag:s26] =	ssyncset.done $0x0  }
0x286: {  	[sflag:s26] =	ssyncadd.s32 $0xFFFFF800  }
0x287: {  	s28 =	sadd.s32 $0x1, s28;
	_ =	swait.ge [sflag:s26], $0x800  }
0x288: {  	p0 =	sne.s32 s28, s11;
	[sflag:s26] =	ssyncset.done $0x0  }
.Ltmp7:
0x289: {  	[sflag:s26] =	ssyncadd.s32 $0xFFFFF800;
	(pc) =	sbr.rel @p0 .LBB2_1-.Ltmp7, $4  }
0x28a: {  	[hbm4b:s29+s3] =	stream.linear.scatter [tilespmem:s18], [sflag:$0x2], $0x8000, $0x38;
	[tilespmem:$0x10C20] =	vst v63  }
0x28b: {  	_ =	swait.ge [sflag:s13], $0x8000  }
0x28c: {  	[sflag:s13] =	ssyncset.done $0x0  }
0x28d: {  	[sflag:s13] =	ssyncadd.s32 $0xFFFF8000  }
0x28e: {  	_ =	sfence.sel $0x180000  }
0x28f: {  	[bflag:$0x0] =	sbarrier.arrive $0xFFFF  }
0x290: {  	_ =	strace $0x90000047  }
0x291: {  	s0 =	stileid.u32;
	[bflag:$0x2] =	sbarrier.arrive $0xFFFF  }
0x292: {  	p0 =	sne.s32 s0, $0x0;
	s0 =	rddreg [dreg:$0x4]  }
0x293: {  	s0 =	sadd.s32 @!p0 $0x100000, s0  }
0x294: {  	[sflag:s0] =	ssyncadd.tile.s32 @!p0 $0x1;
	_ =	shalt  }
.Lfunc_end2:
_tile_overlayer_lowered:
.L_overlay_start_2:
0x295: {  	(tag) =	ssettag $0x2  }
0x296: {  	s0 =	rddreg [dreg:$0x0];
	s2 =	stileid.u32  }
0x297: {  	s1 =	rddreg [dreg:$0x1];
	p0 =	sne.s32 s2, $0x0  }
0x298: {  	s3 =	rddreg [dreg:$0x2];
	[bflag:$0x3] =	sbarrier.arrive $0xFFFF;
	s2 =	simm.s32 @!p0 $0x1C02  }
0x299: {  	[timem:s3], [sflag:s2] =	dma.local @!p0 [hbm:s0], s1  }
0x29a: {  	s0 =	simm.s32 @!p0 $0x2  }
0x29b: {  	_ =	swait.ge @!p0 [sflag:s0], s1  }
0x29c: {  	s1 =	ssub.s32 @!p0 $0x0, s1;
	[sflag:s0] =	ssyncset.done @!p0 $0x0  }
0x29d: {  	[sflag:s0] =	ssyncadd.s32 @!p0 s1  }
0x29e: {  	[bflag:$0x3] =	sbarrier.arrive $0xFFFF  }
0x29f: {  	_ =	shalt  }

// kernel: sparse-core-data-format-call.cloned.1.call-start
scs
called_computation_lowered:
.L_overlay_start_0:
0x0: {  	s2 =	sld [smem:$0x3FD9]  }
0x1: {  	s3 =	sld [smem:$0x3FFE];
	_ =	sdelay $0x1  }
0x2: {  	s1 =	srdreg.scid  }
0x3: {  	s0 =	sand.u32 $0x1, s1  }
0x4: {  	s15 =	sshll.u32 s0, $0xA;
	s2 =	sadd.s32 s3, s2  }
0x5: {  	s2 =	sadd.s32 s2, s15  }
0x6: {  	[smem:$0x3FC1] =	sst s2  }
0x7: {  	_ = 	snop  }
0x8: {  	s2 =	sld [smem:$0x3FD0];
	_ =	sdelay $0x2  }
0x9: {  	s16 =	simm.s32 $0xA;
	s4 =	simm.s32 $0x10  }
0xa: {  	[smem:s4], [sflag:s16] =	dma.local [hbm:s2], $0x1  }
0xb: {  	_ =	swait.eq [sflag:s16], $0x1  }
0xc: {  	[sflag:s16] =	ssyncset.done $0x0  }
0xd: {  	[sflag:s16] =	ssyncadd.s32 $0xFFFFFFFF  }
0xe: {  	s17 =	sld [smem:$0x11];
	(tm) =	ssettm $0x1  }
0xf: {  	s18 =	sld [smem:$0x3FFB];
	_ =	sdelay $0x3  }
0x10: {  	_ =	strace s18  }
0x11: {  	s3 =	sld [smem:$0x3FFC];
	_ =	sdelay $0x3  }
0x12: {  	_ =	strace s3  }
0x13: {  	s3 =	sld [smem:$0x3FFD];
	_ =	sdelay $0x3  }
0x14: {  	_ =	strace s3  }
0x15: {  	_ =	strace $0x8FFFFFFF  }
0x16: {  	s19 =	sld [smem:$0x3FDB];
	_ =	sdelay $0x1  }
0x17: {  	s20 =	simm.s32 $_scs_section_size  }
0x18: {  	s5 =	simm.s32 $_size__tile_overlayer_lowered;
	s6 =	simm.s32 $_tile_overlayer_lowered  }
0x19: {  	s23 =	simm.s32 $0x1BFF;
	s22 =	sshll.u32 s6, $0x1;
	s3 =	sadd.s32 s20, s19  }
0x1a: {  	s7 =	simm.s32 $0x0;
	s21 =	sshll.u32 s5, $0x1;
	s5 =	sadd.s32 s22, s3  }
0x1b: {  	[timem:s7], [sflag:s23] =	dma.local [hbm:s5], s21  }
0x1c: {  	_ =	swait.ge [sflag:s23], s21  }
0x1d: {  	s4 =	ssub.s32 $0x0, s21;
	[sflag:s23] =	ssyncset.done $0x0  }
0x1e: {  	[sflag:s23] =	ssyncadd.s32 s4;
	_ =	sdelay $0x1  }
0x1f: {  	s24 =	simm.s32 $0x1B8B  }
0x20: {  	_ =	swait.ge [sflag:s24], $0x1  }
0x21: {  	[sflag:s24] =	ssyncset.done $0x0  }
0x22: {  	s26 =	simm.s32 $0x1B8E;
	s25 =	sld [smem:$0x3FFE];
	[sflag:s24] =	ssyncadd.s32 $0xFFFFFFFF  }
0x23: {  	s27 =	simm.s32 $execute0_lowered;
	[smem:$0x3FD2] =	sst s26  }
0x24: {  	s5 =	sshll.u32 s27, $0x1;
	_ =	strace $0x80000049;
	[dreg:$0x1] =	wrdreg $0xFFFFFFFF  }
0x25: {  	s28 =	simm.s32 $_size_execute0_lowered;
	s3 =	sadd.s32 s3, s5;
	[dreg:$0x0] =	wrdreg $0x0  }
0x26: {  	s5 =	sshll.u32 s28, $0x1;
	[dreg:$0x2] =	wrdreg s3  }
0x27: {  	[dreg:$0x3] =	wrdreg s5  }
0x28: {  	[dreg:$0x4] =	wrdreg $0xC0  }
0x29: {  	_ =	task [dreg:s7], $0x5FFFF  }
0x2a: {  	[dreg:$0x1] =	wrdreg $0xFFFFFFFF  }
0x2b: {  	[dreg:$0x0] =	wrdreg $0x60  }
0x2c: {  	[dreg:$0x2] =	wrdreg s25  }
0x2d: {  	[dreg:$0x3] =	wrdreg s17  }
0x2e: {  	[dreg:$0x4] =	wrdreg $0x9  }
0x2f: {  	_ =	task.clear_ibuf [dreg:s7], $0x5FFFF;
	_ =	strace $0x90000049  }
0x30: {  	s29 =	simm.s32 $0x9;
	_ =	strace $0x8000004B  }
0x31: {  	_ =	swait.ge [sflag:s29], $0x1  }
0x32: {  	[sflag:s29] =	ssyncadd.s32 $0xFFFFFFFF  }
0x33: {  	_ =	strace $0x9000004B  }
0x34: {  	_ =	sfence  }
0x35: {  	s30 =	sld [smem:$0x0];
	_ =	sdelay $0x2  }
0x36: {  	s31 =	sshll.u32 s1, $0xD;
	s1 =	sshrl.u32 s1, $0x2  }
0x37: {  	s3 =	sand.u32 $0x4000, s31;
	s1 =	sadd.s32 s1, s30  }
0x38: {  	s0 =	sor.u32 s3, s0;
	s1 =	sshll.u32 s1, $0x11  }
0x39: {  	s0 =	sor.u32 s1, s0  }
0x3a: {  	s0 =	sadd.s32 $0x8F2B, s0  }
0x3b: {  	[sflag:s0] =	ssyncadd.remote.s32 $0x1  }
0x3c: {  	_ =	sfence.sel $0xFFFF  }
0x3d: {  	[dreg:$0x0] =	wrdreg $0xFFFFFFFF;
	(pc) =	sbr.abs _section_cstart, $3  }
0x3e: {  	[dreg:$0x1] =	wrdreg $0xFFFFFFFF  }
0x3f: {  	_ =	task.clear_ibuf [dreg:s7], $0x2FFFF;
	_ =	strace $0x9FFFFFFF  }
0x40: {  	(tm) =	ssettm $0x7FFFFFFF  }
0x41: {  	_ =	shalt  }
tec
execute0_lowered:
.L_overlay_start_1:
0x0: {  	(tag) =	ssettag $0x1  }
0x1: {  	s0 =	srdreg.scid  }
0x2: {  	s1 =	sshll.u32 s0, $0x4  }
0x3: {  	s4 =	rddreg [dreg:$0x0];
	s0 =	stileid.u32;
	s1 =	sand.u32 $0x10, s1  }
0x4: {  	s2 =	rddreg [dreg:$0x1];
	s7 =	simm.s32 $0x1;
	s1 =	sor.u32 s0, s1  }
0x5: {  	s8 =	simm.s32 $0x2;
	s11 =	simm.s32 $0x0;
	s3 =	sshll.u32 s1, $0x7  }
0x6: {  	s10 =	simm.s32 $0x0;
	s4 =	sadd.s32 $0xA00800, s4;
	s6 =	ssub.s32 $0x100000, s3  }
.Ltmp0:
0x7: {  	s1 =	rddreg [dreg:$0x2];
	s5 =	sand.u32 $0xF80, s6;
	(pc) =	sbr.rel .LBB1_1-.Ltmp0, $4  }
0x8: {  	_ =	strace $0x8000004A;
	s9 =	smov.u32 s3;
	p0 =	sne.s32 s5, $0x0  }
0x9: {  	s6 =	sshrl.u32 s6, $0xC;
	s5 =	simm.s32 $0x1;
	s7 =	simm.s32 @!p0 $0x0  }
0xa: {  	[sflag:s5] =	ssyncpa.u1 $0x0;
	p0 =	por $0x0, $0x0;
	s6 =	sadd.s32 s7, s6  }
0xb: {  	[sflag:s8] =	ssyncpa.u1 $0x0;
	s8 =	simm.s32 $0x800000;
	s7 =	sadd.s32 $0x1, s6  }
.LBB1_4:
0xc: {  	[tilespmem:s12+$0xFFFFFFFC ss:$0x81] =	vst.msk $0xffff, v2;
	s14 =	sshll.u32 s11, $0x3  }
0xd: {  	[tilespmem:s12+$0xFFFFFFFD ss:$0x81] =	vst.msk $0xffff, v3;
	s15 =	sand.u32 $0x78, s11;
	s14 =	sand.u32 $0xFFC00, s14  }
0xe: {  	[tilespmem:s12+$0xFFFFFFFE ss:$0x81] =	vst.msk $0xffff, v1;
	s29 =	sand.u32 $0x1E0000, s11;
	s30 =	sand.u32 $0x7, s11;
	s14 =	sor.u32 s15, s14  }
0xf: {  	[tilespmem:s12+$0xFFFFFFFF ss:$0x81] =	vst.msk $0xffff, v4;
	s11 =	sshll.u32 s30, $0x12;
	s15 =	sadd.s32 s2, s29;
	s14 =	sshrl.u32 s14, $0x3  }
0x10: {  	[tilespmem:s12+$0xFFFFFFF9 ss:$0x81] =	vst.msk $0xffff, v0;
	s11 =	sor.u32 $0x400, s11;
	s31 =	sadd.s32 s14, s15  }
0x11: {  	[hbm4b:s31+s11] =	stream.strided.scatter [tilespmem:s13], [sflag:$0x2], $0x800, s8, s11, $0x20;
	[tilespmem:$0x2020] =	vst v63  }
.LBB1_5:
0x12: {  	s13 =	sadd.s32 $0x1000, s9  }
0x13: {  	p2 =	sgt.s32 s13, $0xFFFFF  }
0x14: {  	s13 =	smov.u32 @p2 s3;
	p2 =	sne.s32 s10, s7  }
.Ltmp1:
0x15: {  	p1 =	slt.u32 s10, $0x2;
	(pc) =	sbr.rel @!p2 .LBB1_6-.Ltmp1, $4  }
0x16: {  	s12 =	simm.s32 @!p1 $0x2  }
0x17: {  	s14 =	sadd.s32 $0x1, s10;
	_ =	swait.ge @!p1 [sflag:s12], $0x800  }
0x18: {  	s11 =	smov.u32 s9;
	p0 =	por !p0, !p0;
	[sflag:s12] =	ssyncset.done @!p1 $0x0  }
0x19: {  	s10 =	smov.u32 s14;
	s9 =	smov.u32 s13;
	[sflag:s12] =	ssyncadd.s32 @!p1 $0xFFFFF800  }
.LBB1_1:
0x1a: {  	p1 =	sge.u32 s10, s6  }
0x1b: {  	s31 =	sadd.s32 $0xFFFFFFFF, s10;
	s12 =	sxor.u32 @!p1 $0xFFFFFFFF, s10;
	s13 =	sshll.u32 @!p1 s9, $0x4  }
0x1c: {  	s14 =	simm.s32 @!p1 $0x10;
	s12 =	sshll.u32 @!p1 s12, $0xB;
	s13 =	sand.u32 @!p1 $0xFFFFF0, s13  }
0x1d: {  	s15 =	simm.s32 @!p1 $0x80;
	s12 =	sand.u32 @!p1 $0x800, s12;
	s13 =	sadd.s32 @!p1 s4, s13  }
0x1e: {  	[tilespmem:s12], [sflag:$0x1] =	stream.strided.gather @!p1 [hbm4b:s13+s14], $0x800, s15, s14, $0x38;
	[tilespmem:$0x2020] =	vst v63  }
0x1f: {  	p1 =	sge.u32 s31, s6  }
.Ltmp2:
0x20: {  	_ = 	snop;
	(pc) =	sbr.rel @p1 .LBB1_5-.Ltmp2, $1  }
0x21: {  	_ =	sdelay $0x3  }
0x22: {  	s12 =	simm.s32 $0x1  }
0x23: {  	_ =	swait.ge [sflag:s5], $0x800;
	s12 =	simm.s32 @!p0 $0x0  }
0x24: {  	[sflag:s5] =	ssyncset.done $0x0;
	s13 =	sshll.u32 s12, $0xB  }
0x25: {  	[sflag:s5] =	ssyncadd.s32 $0xFFFFF800;
	s15 =	sor.u32 $0x40, s13  }
0x26: {  	v0 =	vld [tilespmem:s15+$0x30]  }
0x27: {  	s12 =	smul.u32 $0x2040, s12;
	v4 =	vld [tilespmem:s15+$0xFFFFFFD0]  }
0x28: {  	v5 =	vld [tilespmem:s15+$0xFFFFFFE0]  }
0x29: {  	s31 =	sand.u32 $0x1, s10;
	s12 =	sshrl.u32 s12, $0x2;
	v2 =	vld [tilespmem:s15+$0xFFFFFFF0]  }
0x2a: {  	s13 =	smul.u32 $0x2040, s31;
	v3 =	vld [tilespmem:s15+$0x0];
	s12 =	sor.u32 $0x1007, s12  }
0x2b: {  	v1 =	vld [tilespmem:s15+$0x10];
	[tilespmem:s12+$0x0 ss:$0x81] =	vst.msk $0xffff, v0  }
0x2c: {  	s13 =	sshrl.u32 s13, $0x2;
	[tilespmem:s12+$0xFFFFFFFA ss:$0x81] =	vst.msk $0xffff, v4;
	v4 =	vld [tilespmem:s15+$0x20]  }
0x2d: {  	s14 =	simm.s32 $0x0;
	s13 =	sor.u32 $0x1000, s13;
	v0 =	vld [tilespmem:s15+$0xFFFFFFC0];
	[tilespmem:s12+$0xFFFFFFFB ss:$0x81] =	vst.msk $0xffff, v5;
	s15 =	sadd.s32 $0x80, s15  }
.LBB1_3:
0x2e: {  	v5 =	vld [tilespmem:s15+$0x30];
	s14 =	sadd.s32 $0x8, s14;
	[tilespmem:s12+$0xFFFFFFFC ss:$0x81] =	vst.msk $0xffff, v2  }
0x2f: {  	v6 =	vld [tilespmem:s15+$0xFFFFFFD0];
	p1 =	slt.u32 s14, $0x78;
	[tilespmem:s12+$0xFFFFFFFD ss:$0x81] =	vst.msk $0xffff, v3  }
0x30: {  	v7 =	vld [tilespmem:s15+$0xFFFFFFE0];
	[tilespmem:s12+$0xFFFFFFFE ss:$0x81] =	vst.msk $0xffff, v1  }
.Ltmp3:
0x31: {  	v2 =	vld [tilespmem:s15+$0xFFFFFFF0];
	[tilespmem:s12+$0xFFFFFFFF ss:$0x81] =	vst.msk $0xffff, v4;
	(pc) =	sbr.rel @p1 .LBB1_3-.Ltmp3, $4  }
0x32: {  	v3 =	vld [tilespmem:s15+$0x0];
	[tilespmem:s12+$0xFFFFFFF9 ss:$0x81] =	vst.msk $0xffff, v0;
	s12 =	sadd.s32 $0x8, s12  }
0x33: {  	v1 =	vld [tilespmem:s15+$0x10];
	[tilespmem:s12+$0x0 ss:$0x81] =	vst.msk $0xffff, v5  }
0x34: {  	[tilespmem:s12+$0xFFFFFFFA ss:$0x81] =	vst.msk $0xffff, v6;
	v4 =	vld [tilespmem:s15+$0x20]  }
0x35: {  	v0 =	vld [tilespmem:s15+$0xFFFFFFC0];
	[tilespmem:s12+$0xFFFFFFFB ss:$0x81] =	vst.msk $0xffff, v7;
	s15 =	sadd.s32 $0x80, s15  }
.Ltmp4:
0x36: {  	_ = 	snop;
	(pc) =	sbr.rel .LBB1_4-.Ltmp4, $1  }
0x37: {  	_ =	sdelay $0x3  }
.LBB1_6:
0x38: {  	_ =	sfence.sel $0x180000  }
0x39: {  	s2 =	simm.s32 $0x1;
	[bflag:$0x0] =	sbarrier.arrive $0xFFFF  }
0x3a: {  	s31 =	simm.s32 $0x2;
	[sflag:s2] =	ssyncpa.u1 $0x1  }
0x3b: {  	[sflag:s31] =	ssyncpa.u1 $0x1  }
0x3c: {  	p0 =	sne.s32 s0, $0x0;
	_ =	strace $0x9000004A  }
0x3d: {  	s0 =	sadd.s32 @!p0 $0x100000, s1;
	[bflag:$0x2] =	sbarrier.arrive $0xFFFF  }
0x3e: {  	[sflag:s0] =	ssyncadd.tile.s32 @!p0 $0x1;
	_ =	shalt  }
.Lfunc_end1:
_tile_overlayer_lowered:
.L_overlay_start_2:
0x3f: {  	(tag) =	ssettag $0x2  }
0x40: {  	s0 =	rddreg [dreg:$0x0];
	s2 =	stileid.u32  }
0x41: {  	s1 =	rddreg [dreg:$0x1];
	p0 =	sne.s32 s2, $0x0  }
0x42: {  	s3 =	rddreg [dreg:$0x2];
	[bflag:$0x3] =	sbarrier.arrive $0xFFFF;
	s2 =	simm.s32 @!p0 $0x1C01  }
0x43: {  	[timem:s3], [sflag:s2] =	dma.local @!p0 [hbm:s0], s1  }
0x44: {  	s0 =	simm.s32 @!p0 $0x1  }
0x45: {  	_ =	swait.ge @!p0 [sflag:s0], s1  }
0x46: {  	s1 =	ssub.s32 @!p0 $0x0, s1;
	[sflag:s0] =	ssyncset.done @!p0 $0x0  }
0x47: {  	[sflag:s0] =	ssyncadd.s32 @!p0 s1  }
0x48: {  	[bflag:$0x3] =	sbarrier.arrive $0xFFFF  }
0x49: {  	_ =	shalt  }

</sc_bundles>
